<compile_context>
chip_gen: v7x
topology: tpu7x:2x2x1
jax: 0.10.2.dev20260603
libtpu: 0.0.44.dev20260713+nightly
codegen_flags: <defaults>
</compile_context>

<pallas_src>
import jax
import jax.numpy as jnp
from jax import lax
from jax.experimental import pallas as pl
from jax.experimental.pallas import tpu as pltpu
from jax.experimental.pallas import tpu_sc as plsc

N = 50000
E = 800000
G = 64
DH = 128
L = 100
D = 112

NC = 2
NS = 16
NT = NC * NS
NPAD = 50176
GB = 128
EB2 = 1024
NB2 = 816
EPAD2 = NB2 * EB2
TPG = EPAD2 // NT // GB
WIN = 1032

RB = 1024
NB = NPAD // RB


def _sc_gather(xpad, ssp):

    def body(xpad_hbm, src_hbm, hr_hbm, gsrc, rows, sem):
        ci = lax.axis_index("c")
        si = lax.axis_index("s")
        eoff = (ci * NS + si) * (TPG * GB)

        def g2(g, c):
            off = pl.multiple_of(eoff + g * GB, GB)
            pltpu.sync_copy(src_hbm.at[pl.ds(off, GB)], gsrc)
            pltpu.async_copy(xpad_hbm.at[gsrc], rows, sem).wait()
            pltpu.sync_copy(rows, hr_hbm.at[pl.ds(off, GB)])
            return c

        lax.fori_loop(0, TPG, g2, 0)

    mesh = plsc.VectorSubcoreMesh(core_axis_name="c", subcore_axis_name="s")
    return pl.kernel(
        body,
        out_type=jax.ShapeDtypeStruct((EPAD2, D), jnp.float32),
        mesh=mesh,
        compiler_params=pltpu.CompilerParams(use_tc_tiling_on_sc=False),
        scratch_types=[
            pltpu.VMEM((GB,), jnp.int32),
            pltpu.VMEM((GB, D), jnp.float32),
            pltpu.SemaphoreType.DMA,
        ])(xpad, ssp)


def _tc_segsum(hr, dst3, bases):

    def body(bases_ref, rows_ref, d3_ref, xa_ref):
        i = pl.program_id(0)

        @pl.when(i == 0)
        def _():
            xa_ref[...] = jnp.zeros_like(xa_ref)

        base = bases_ref[i]
        rel = d3_ref[0, 0, :] - base
        mask = (lax.broadcasted_iota(jnp.int32, (WIN, EB2), 0)
                == rel[None, :]).astype(jnp.float32)
        xa_ref[pl.ds(base, WIN), :] += jnp.dot(
            mask, rows_ref[...], preferred_element_type=jnp.float32)

    return pl.pallas_call(
        body,
        grid=(NB2,),
        in_specs=[
            pl.BlockSpec(memory_space=pltpu.SMEM),
            pl.BlockSpec((EB2, D), lambda i: (i, 0)),
            pl.BlockSpec((1, 1, EB2), lambda i: (i, 0, 0)),
        ],
        out_specs=pl.BlockSpec((NPAD, D), lambda i: (0, 0)),
        out_shape=jax.ShapeDtypeStruct((NPAD, D), jnp.float32),
    )(bases, hr, dst3)


def _tc_head(xa, xp, batch3, wrp, wop, bng2, bnb2, fc2_w, fc2_b2):

    def body(xa_ref, xp_ref, b3_ref, wr_ref, wo_ref, bng_ref, bnb_ref,
             f2w_ref, f2b_ref, y_ref, s1_ref, s2_ref, cnt_ref):
        i = pl.program_id(0)

        @pl.when(i == 0)
        def _():
            s1_ref[...] = jnp.zeros_like(s1_ref)
            s2_ref[...] = jnp.zeros_like(s2_ref)
            cnt_ref[...] = jnp.zeros_like(cnt_ref)
            y_ref[...] = jnp.zeros_like(y_ref)

        h2 = (jnp.dot(xa_ref[...], wr_ref[...],
                      preferred_element_type=jnp.float32)
              + jnp.dot(xp_ref[...], wo_ref[...],
                        preferred_element_type=jnp.float32))
        b = b3_ref[0, 0, :]
        mask = (lax.broadcasted_iota(jnp.int32, (G, RB), 0)
                == b[None, :]).astype(jnp.float32)
        s1_ref[...] += jnp.dot(mask, h2, preferred_element_type=jnp.float32)
        s2_ref[...] += jnp.dot(mask, h2 * h2,
                               preferred_element_type=jnp.float32)
        cnt_ref[...] += jnp.broadcast_to(
            jnp.sum(mask, axis=1, keepdims=True), (G, DH))

        @pl.when(i == NB - 1)
        def _():
            s1 = s1_ref[...]
            s2 = s2_ref[...]
            cnt = cnt_ref[...]
            t1 = jnp.sum(s1, axis=0)
            t2 = jnp.sum(s2, axis=0)
            mean = t1 / N
            var = t2 / N - mean * mean
            a = bng_ref[0, :] / jnp.sqrt(var + 1e-5)
            c = bnb_ref[0, :] - mean * a
            cc = jnp.maximum(cnt, 1.0)
            pooled = ((a * a)[None, :] * s2 / cc
                      + (2.0 * a * c)[None, :] * s1 / cc
                      + (c * c)[None, :])
            hh = jnp.log(jnp.maximum(pooled, 1e-6))
            y = lax.dot_general(hh, f2w_ref[...], (((1,), (1,)), ((), ())),
                                preferred_element_type=jnp.float32)
            y_ref[...] = jax.nn.sigmoid(y + f2b_ref[...])

    out_shape = (
        jax.ShapeDtypeStruct((G, 3), jnp.float32),
        jax.ShapeDtypeStruct((G, DH), jnp.float32),
        jax.ShapeDtypeStruct((G, DH), jnp.float32),
        jax.ShapeDtypeStruct((G, DH), jnp.float32),
    )
    in_specs = [
        pl.BlockSpec((RB, D), lambda i: (i, 0)),
        pl.BlockSpec((RB, D), lambda i: (i, 0)),
        pl.BlockSpec((1, 1, RB), lambda i: (i, 0, 0)),
        pl.BlockSpec((D, DH), lambda i: (0, 0)),
        pl.BlockSpec((D, DH), lambda i: (0, 0)),
        pl.BlockSpec((1, DH), lambda i: (0, 0)),
        pl.BlockSpec((1, DH), lambda i: (0, 0)),
        pl.BlockSpec((3, DH), lambda i: (0, 0)),
        pl.BlockSpec((G, 3), lambda i: (0, 0)),
    ]
    out_specs = (
        pl.BlockSpec((G, 3), lambda i: (0, 0)),
        pl.BlockSpec((G, DH), lambda i: (0, 0)),
        pl.BlockSpec((G, DH), lambda i: (0, 0)),
        pl.BlockSpec((G, DH), lambda i: (0, 0)),
    )
    y, _, _, _ = pl.pallas_call(
        body, grid=(NB,), in_specs=in_specs, out_specs=out_specs,
        out_shape=out_shape)(
            xa, xp, batch3, wrp, wop, bng2, bnb2, fc2_w, fc2_b2)
    return y


def kernel(x, edge_index, batch, conv_w, conv_b, fc1_w, fc1_b, rel_w, rel_b,
           root_w, bn_g, bn_b, fc2_w, fc2_b):
    f = fc1_w[0]
    K = conv_w.shape[2]
    P = K // 2
    shifts = []
    for k in range(K):
        s = P - k
        if s >= 0:
            gk = jnp.concatenate([f[s:], jnp.zeros((s,), f.dtype)])
        else:
            gk = jnp.concatenate([jnp.zeros((-s,), f.dtype), f[:s]])
        shifts.append(gk)
    shifts = jnp.stack(shifts)
    A = jnp.einsum("ck,kl->cl", conv_w[:, 0, :], shifts)
    const_c = conv_b * jnp.sum(f) + fc1_b[0]

    wr = A.T @ rel_w.T
    cr = rel_w @ const_c
    wo = A.T @ root_w.T
    bo = root_w @ const_c
    wrp = jnp.zeros((D, DH), jnp.float32).at[:L].set(wr).at[L].set(cr)
    wop = jnp.zeros((D, DH), jnp.float32).at[:L].set(wo).at[L].set(bo + rel_b)

    xp = (jnp.zeros((NPAD, D), jnp.float32)
          .at[:N, :L].set(x).at[:N, L].set(1.0))

    order = jnp.argsort(edge_index[1])
    ss = edge_index[0][order]
    ds = edge_index[1][order]
    ssp = jnp.concatenate([ss, jnp.zeros((EPAD2 - E,), jnp.int32)])
    dsp = jnp.concatenate([ds, jnp.full((EPAD2 - E,), NPAD + 4096,
                                        jnp.int32)])
    dst3 = dsp.reshape(NB2, 1, EB2)
    bases = jnp.minimum((dst3[:, 0, 0] // 8) * 8, NPAD - WIN)

    batch3 = jnp.concatenate(
        [batch, jnp.full((NPAD - N,), G, jnp.int32)]).reshape(NB, 1, RB)
    bng2 = bn_g.reshape(1, DH)
    bnb2 = bn_b.reshape(1, DH)
    fc2_b2 = jnp.broadcast_to(fc2_b[None, :], (G, 3))

    hr = _sc_gather(xp, ssp)
    xa = _tc_segsum(hr, dst3, bases)
    return _tc_head(xa, xp, batch3, wrp, wop, bng2, bnb2, fc2_w, fc2_b2)

# --- scband reference (transcript-rebuilt; emitter-appended) ---
"""Pipeline reference for scband-sh-gcn-23398981829376 (READ-ONLY COPY).

The authoritative reference and input builder live on the scoring server;
editing this copy changes nothing except your own understanding.
"""

import jax, jax.numpy as jnp
import numpy as np

N = 50000
E = 800000
G = 64
DL = 128
DH = 128
K = 5

def setup_inputs(seed: int = 0) -> dict:
    key = jax.random.key(seed)
    ks = jax.random.split(key, 16)
    x = jax.random.normal(ks[0], (N, 100), dtype=jnp.float32)
    edge_index = jax.random.randint(ks[1], (2, E), 0, N, dtype=jnp.int32)
    batch = jnp.sort(jax.random.randint(ks[2], (N,), 0, G, dtype=jnp.int32))
    conv_w = jax.random.normal(ks[3], (DL, 1, K), dtype=jnp.float32) * 0.1
    conv_b = jax.random.normal(ks[4], (DL,), dtype=jnp.float32) * 0.1
    fc1_w = jax.random.normal(ks[5], (1, 100), dtype=jnp.float32) * 0.1
    fc1_b = jax.random.normal(ks[6], (1,), dtype=jnp.float32) * 0.1
    rel_w = jax.random.normal(ks[7], (DH, DL), dtype=jnp.float32) * 0.05
    rel_b = jax.random.normal(ks[8], (DH,), dtype=jnp.float32) * 0.05
    root_w = jax.random.normal(ks[9], (DH, DL), dtype=jnp.float32) * 0.05
    bn_g = jnp.ones((DH,), dtype=jnp.float32)
    bn_b = jnp.zeros((DH,), dtype=jnp.float32)
    fc2_w = jax.random.normal(ks[10], (3, DH), dtype=jnp.float32) * 0.1
    fc2_b = jax.random.normal(ks[11], (3,), dtype=jnp.float32) * 0.1
    return {"x": x, "edge_index": edge_index, "batch": batch,
            "conv_w": conv_w, "conv_b": conv_b, "fc1_w": fc1_w, "fc1_b": fc1_b,
            "rel_w": rel_w, "rel_b": rel_b, "root_w": root_w,
            "bn_g": bn_g, "bn_b": bn_b, "fc2_w": fc2_w, "fc2_b": fc2_b}


def reference(x, edge_index, batch, conv_w, conv_b, fc1_w, fc1_b, rel_w, rel_b, root_w, bn_g, bn_b, fc2_w, fc2_b):
    # encoder: Conv1d(1, d_latent, K, stride=1, padding=K//2)
    h = jax.lax.conv_general_dilated(x[:, None, :], conv_w,
                                     window_strides=(1,),
                                     padding=[(K // 2, K // 2)],
                                     dimension_numbers=("NCH", "OIH", "NCH"))
    h = h + conv_b[None, :, None]            # [N, DL, 100]
    # fc1: Linear(100, 1) then squeeze
    h = jnp.einsum("ncl,ol->nco", h, fc1_w) + fc1_b  # [N, DL, 1]
    h = h[:, :, 0]                            # [N, DL]
    # GraphConv (PyG): out = lin_rel(sum_{j->i} x_j) + lin_root(x_i)
    src = edge_index[0]
    dst = edge_index[1]
    aggr = jax.ops.segment_sum(h[src], dst, num_segments=N)  # scatter-add by dst
    h = aggr @ rel_w.T + rel_b + h @ root_w.T                # [N, DH]
    # BatchNorm1d (batch statistics, training semantics)
    mean = jnp.mean(h, axis=0)
    var = jnp.var(h, axis=0)
    h = (h - mean) / jnp.sqrt(var + 1e-5) * bn_g + bn_b
    # conv_nonlin: x * x
    h = h * h
    # global mean pool over graph ids
    cnt = jax.ops.segment_sum(jnp.ones((N,), dtype=h.dtype), batch, num_segments=G)
    pooled = jax.ops.segment_sum(h, batch, num_segments=G) / jnp.clip(cnt, 1.0)[:, None]
    # pool_nonlin: log(clamp(x, min=1e-6)); dropout is identity in eval
    h = jnp.log(jnp.clip(pooled, 1e-6))
    y = h @ fc2_w.T + fc2_b
    return jax.nn.sigmoid(y)

if __name__ == "__main__":
    import jax
    _d = setup_inputs()
    print(jax.jit(kernel)(*tuple(_d.values())))

</pallas_src>

<mosaic_0001>
#map = affine_map<(d0, d1) -> (0, 0)>
#map1 = affine_map<(d0, d1) -> (0)>
module attributes {stable_mosaic.version = 14 : i64} {
  func.func @body(%arg0: i32, %arg1: i32, %arg2: memref<50176x112xf32, #tpu.memory_space<hbm>>, %arg3: memref<835584xi32, #tpu.memory_space<hbm>>, %arg4: memref<835584x112xf32, #tpu.memory_space<hbm>>, %arg5: memref<128xi32, #tpu.memory_space<vmem>>, %arg6: memref<128x112xf32, #tpu.memory_space<vmem>>, %arg7: memref<!tpu.dma_semaphore, #tpu.memory_space<semaphore_mem>>) attributes {dimension_semantics = [#tpu.dimension_semantics<core_parallel>, #tpu.dimension_semantics<subcore_parallel>], iteration_bounds = array<i64: 2, 16>, scalar_prefetch = 0 : i64, scratch_operands = 3 : i64, tpu.core_type = #tpu.core_type<sc_vector_subcore>, window_params = [{transform_indices = #map}, {transform_indices = #map1}, {transform_indices = #map}]} {
    %mul3A = arith.constant 16 : i32
    %mul3A_0 = arith.muli %arg0, %mul3A : i32
    %add3A = arith.addi %mul3A_0, %arg1 : i32
    %mul3A_1 = arith.constant 26112 : i32
    %mul3A_2 = arith.muli %add3A, %mul3A_1 : i32
    %scan3A = arith.constant 0 : i32
    %scan3A_3 = arith.constant 0 : i32
    %scan3A_4 = arith.constant 204 : i32
    %scan3A_5 = arith.addi %scan3A_3, %scan3A_4 : i32
    %scan3A_6 = arith.constant 1 : i32
    scf.for %scan3A_8 = %scan3A_3 to %scan3A_5 step %scan3A_6  : i32 {
      %mul3A_9 = arith.constant 128 : i32
      %mul3A_10 = arith.muli %scan3A_8, %mul3A_9 : i32
      %add3A_11 = arith.addi %mul3A_2, %mul3A_10 : i32
      %multiple_of3A = tpu.assume_multiple %add3A_11, 128 : i32
      "tpu.region"() ({
        %run_scoped3A = tpu.sem_alloc : memref<!tpu.dma_semaphore, #tpu.memory_space<semaphore_mem>>
        %dma_start3A_16 = tpu.memref_slice %arg3[%multiple_of3A] : memref<835584xi32, #tpu.memory_space<hbm>> -> memref<128xi32, #tpu.memory_space<hbm>>
        %dma_start3A_17 = tpu.memref_slice %arg3[%multiple_of3A] : memref<835584xi32, #tpu.memory_space<hbm>> -> memref<128xi32, #tpu.memory_space<hbm>>
        tpu.enqueue_dma source(%dma_start3A_17 : memref<128xi32, #tpu.memory_space<hbm>>) target(%arg5 : memref<128xi32, #tpu.memory_space<vmem>>) target_semaphore(%run_scoped3A : memref<!tpu.dma_semaphore, #tpu.memory_space<semaphore_mem>>)
        %dma_wait3A_18 = tpu.memref_slice %arg3[%multiple_of3A] : memref<835584xi32, #tpu.memory_space<hbm>> -> memref<128xi32, #tpu.memory_space<hbm>>
        %dma_wait3A_19 = tpu.memref_slice %arg3[%multiple_of3A] : memref<835584xi32, #tpu.memory_space<hbm>> -> memref<128xi32, #tpu.memory_space<hbm>>
        tpu.wait_dma2 semaphore(%run_scoped3A : memref<!tpu.dma_semaphore, #tpu.memory_space<semaphore_mem>>) src(%dma_wait3A_19 : memref<128xi32, #tpu.memory_space<hbm>>) dst(%arg5 : memref<128xi32, #tpu.memory_space<vmem>>)
        tpu.yield
      }) : () -> ()
      %dma_start3A = arith.constant 0 : i32
      %dma_start3A_12 = arith.constant 0 : i32
      %dma_start3A_13 = tpu.memref_slice %arg2[%dma_start3A, %dma_start3A_12] : memref<50176x112xf32, #tpu.memory_space<hbm>> -> memref<50176x112xf32, #tpu.memory_space<hbm>>
      tpu.enqueue_indirect_dma source(%dma_start3A_13 : memref<50176x112xf32, #tpu.memory_space<hbm>>) target(%arg6 : memref<128x112xf32, #tpu.memory_space<vmem>>) offsets(%arg5 : memref<128xi32, #tpu.memory_space<vmem>>) semaphore(%arg7 : memref<!tpu.dma_semaphore, #tpu.memory_space<semaphore_mem>>)
      %dma_wait3A = arith.constant 0 : i32
      %dma_wait3A_14 = arith.constant 0 : i32
      %dma_wait3A_15 = tpu.memref_slice %arg2[%dma_wait3A, %dma_wait3A_14] : memref<50176x112xf32, #tpu.memory_space<hbm>> -> memref<50176x112xf32, #tpu.memory_space<hbm>>
      tpu.wait_indirect_dma semaphore(%arg7 : memref<!tpu.dma_semaphore, #tpu.memory_space<semaphore_mem>>) src(%dma_wait3A_15 : memref<50176x112xf32, #tpu.memory_space<hbm>>) dst(%arg6 : memref<128x112xf32, #tpu.memory_space<vmem>>)
      "tpu.region"() ({
        %run_scoped3A = tpu.sem_alloc : memref<!tpu.dma_semaphore, #tpu.memory_space<semaphore_mem>>
        %dma_start3A_16 = arith.constant 0 : i32
        %dma_start3A_17 = tpu.memref_slice %arg4[%multiple_of3A, %dma_start3A_16] : memref<835584x112xf32, #tpu.memory_space<hbm>> -> memref<128x112xf32, #tpu.memory_space<hbm>>
        %dma_start3A_18 = arith.constant 0 : i32
        %dma_start3A_19 = tpu.memref_slice %arg4[%multiple_of3A, %dma_start3A_18] : memref<835584x112xf32, #tpu.memory_space<hbm>> -> memref<128x112xf32, #tpu.memory_space<hbm>>
        tpu.enqueue_dma source(%arg6 : memref<128x112xf32, #tpu.memory_space<vmem>>) target(%dma_start3A_19 : memref<128x112xf32, #tpu.memory_space<hbm>>) target_semaphore(%run_scoped3A : memref<!tpu.dma_semaphore, #tpu.memory_space<semaphore_mem>>)
        %dma_wait3A_20 = arith.constant 0 : i32
        %dma_wait3A_21 = tpu.memref_slice %arg4[%multiple_of3A, %dma_wait3A_20] : memref<835584x112xf32, #tpu.memory_space<hbm>> -> memref<128x112xf32, #tpu.memory_space<hbm>>
        %dma_wait3A_22 = arith.constant 0 : i32
        %dma_wait3A_23 = tpu.memref_slice %arg4[%multiple_of3A, %dma_wait3A_22] : memref<835584x112xf32, #tpu.memory_space<hbm>> -> memref<128x112xf32, #tpu.memory_space<hbm>>
        tpu.wait_dma2 semaphore(%run_scoped3A : memref<!tpu.dma_semaphore, #tpu.memory_space<semaphore_mem>>) src(%arg6 : memref<128x112xf32, #tpu.memory_space<vmem>>) dst(%dma_wait3A_23 : memref<128x112xf32, #tpu.memory_space<hbm>>)
        tpu.yield
      }) : () -> ()
    }
    %scan3A_7 = arith.constant 204 : i32
    return
  }
}

module attributes {stable_mosaic.version = 14 : i64} {
  func.func @body(%arg0: i32, %arg1: memref<816xi32, #tpu.memory_space<smem>>, %arg2: memref<1024x112xf32, #tpu.memory_space<vmem>>, %arg3: memref<1x1x1024xi32, #tpu.memory_space<vmem>>, %arg4: memref<50176x112xf32, #tpu.memory_space<vmem>>) attributes {dimension_semantics = [#tpu.dimension_semantics<arbitrary>], iteration_bounds = array<i64: 816>, scalar_prefetch = 0 : i64, scratch_operands = 0 : i64, tpu.core_type = #tpu.core_type<tc>, window_params = [{transform_indices = @transform_0, window_bounds = array<i64: 816>}, {transform_indices = @transform_1, window_bounds = array<i64: 1024, 112>}, {transform_indices = @transform_2, window_bounds = array<i64: 1, 1, 1024>}, {pipeline_mode = #tpu.pipeline_mode<synchronous>, transform_indices = @transform_3, window_bounds = array<i64: 50176, 112>}]} {
    %eq3A = arith.constant 0 : i32
    %eq3A_0 = arith.cmpi eq, %arg0, %eq3A : i32
    %convert_element_type3A = arith.extui %eq3A_0 : i1 to i32
    %cond3A = arith.constant 0 : i32
    %cond3A_1 = arith.cmpi ne, %convert_element_type3A, %cond3A : i32
    scf.if %cond3A_1 {
      %broadcast_in_dim3A_22 = arith.constant 0.000000e+00 : f32
      %broadcast_in_dim3A_23 = vector.broadcast %broadcast_in_dim3A_22 : f32 to vector<50176x112xf32>
      %swap3A_24 = arith.constant 0 : index
      %swap3A_25 = arith.constant 0 : index
      %swap3A_26 = vector.load %arg4[%swap3A_24, %swap3A_25] : memref<50176x112xf32, #tpu.memory_space<vmem>>, vector<50176x112xf32>
      tpu.vector_store %arg4[%swap3A_24, %swap3A_25], %broadcast_in_dim3A_23 {strides = array<i32>} : memref<50176x112xf32, #tpu.memory_space<vmem>>, vector<50176x112xf32>,
    } else {
    }
    %get3A = arith.index_cast %arg0 : i32 to index
    %get3A_2 = memref.load %arg1[%get3A] : memref<816xi32, #tpu.memory_space<smem>>
    %get3A_3 = arith.constant 0 : index
    %get3A_4 = arith.constant 0 : index
    %get3A_5 = arith.constant 0 : index
    %get3A_6 = vector.load %arg3[%get3A_3, %get3A_4, %get3A_5] : memref<1x1x1024xi32, #tpu.memory_space<vmem>>, vector<1x1x1024xi32>
    %get3A_7 = vector.shape_cast %get3A_6 : vector<1x1x1024xi32> to vector<1024xi32>
    %sub3A = vector.broadcast %get3A_2 : i32 to vector<1024xi32>
    %sub3A_8 = arith.subi %get3A_7, %sub3A : vector<1024xi32>
    %iota3A = tpu.iota {dimensions = array<i32: 0>} : vector<1032x1024xi32>
    %broadcast_in_dim3A = vector.shape_cast %sub3A_8 : vector<1024xi32> to vector<1x1024xi32>
    %eq3A_9 = vector.broadcast %broadcast_in_dim3A : vector<1x1024xi32> to vector<1032x1024xi32>
    %eq3A_10 = arith.cmpi eq, %iota3A, %eq3A_9 : vector<1032x1024xi32>
    %convert_element_type3A_11 = arith.extui %eq3A_10 : vector<1032x1024xi1> to vector<1032x1024xi32>
    %convert_element_type3A_12 = arith.sitofp %convert_element_type3A_11 : vector<1032x1024xi32> to vector<1032x1024xf32>
    %get3A_13 = arith.index_cast %get3A_2 : i32 to index
    %get3A_14 = arith.constant 0 : index
    %get3A_15 = vector.load %arg4[%get3A_13, %get3A_14] : memref<50176x112xf32, #tpu.memory_space<vmem>>, vector<1032x112xf32>
    %get3A_16 = arith.constant 0 : index
    %get3A_17 = arith.constant 0 : index
    %get3A_18 = vector.load %arg2[%get3A_16, %get3A_17] : memref<1024x112xf32, #tpu.memory_space<vmem>>, vector<1024x112xf32>
    %dot_general3A = arith.constant dense<0.000000e+00> : vector<1032x112xf32>
    %dot_general3A_19 = tpu.matmul %convert_element_type3A_12, %get3A_18, %dot_general3A {dimension_numbers = #tpu.dot_dimension_numbers<[1], [0], [0], [1], [0, 0, 1, 1], [], []>, transpose_lhs_hint = false} : vector<1032x1024xf32>, vector<1024x112xf32>, vector<1032x112xf32> -> vector<1032x112xf32>
    %add3A = arith.addf %get3A_15, %dot_general3A_19 : vector<1032x112xf32>
    %swap3A = arith.index_cast %get3A_2 : i32 to index
    %swap3A_20 = arith.constant 0 : index
    %swap3A_21 = vector.load %arg4[%swap3A, %swap3A_20] : memref<50176x112xf32, #tpu.memory_space<vmem>>, vector<1032x112xf32>
    tpu.vector_store %arg4[%swap3A, %swap3A_20], %add3A {strides = array<i32>} : memref<50176x112xf32, #tpu.memory_space<vmem>>, vector<1032x112xf32>,
    return
  }
  func.func @transform_0(%arg0: i32) -> i32 {
    %c0_i32 = arith.constant 0 : i32
    %c0_i32_0 = arith.constant 0 : i32
    return %c0_i32 : i32
  }
  func.func @transform_1(%arg0: i32) -> (i32, i32) {
    %c0_i32 = arith.constant 0 : i32
    %c0_i32_0 = arith.constant 0 : i32
    return %arg0, %c0_i32 : i32, i32
  }
  func.func @transform_2(%arg0: i32) -> (i32, i32, i32) {
    %c0_i32 = arith.constant 0 : i32
    %c0_i32_0 = arith.constant 0 : i32
    %c0_i32_1 = arith.constant 0 : i32
    return %arg0, %c0_i32, %c0_i32_0 : i32, i32, i32
  }
  func.func @transform_3(%arg0: i32) -> (i32, i32) {
    %c0_i32 = arith.constant 0 : i32
    %c0_i32_0 = arith.constant 0 : i32
    %c0_i32_1 = arith.constant 0 : i32
    return %c0_i32, %c0_i32_0 : i32, i32
  }
}

module attributes {stable_mosaic.version = 14 : i64} {
  func.func @body(%arg0: i32, %arg1: memref<1024x112xf32, #tpu.memory_space<vmem>>, %arg2: memref<1024x112xf32, #tpu.memory_space<vmem>>, %arg3: memref<1x1x1024xi32, #tpu.memory_space<vmem>>, %arg4: memref<112x128xf32, #tpu.memory_space<vmem>>, %arg5: memref<112x128xf32, #tpu.memory_space<vmem>>, %arg6: memref<1x128xf32, #tpu.memory_space<vmem>>, %arg7: memref<1x128xf32, #tpu.memory_space<vmem>>, %arg8: memref<3x128xf32, #tpu.memory_space<vmem>>, %arg9: memref<64x3xf32, #tpu.memory_space<vmem>>, %arg10: memref<64x3xf32, #tpu.memory_space<vmem>>, %arg11: memref<64x128xf32, #tpu.memory_space<vmem>>, %arg12: memref<64x128xf32, #tpu.memory_space<vmem>>, %arg13: memref<64x128xf32, #tpu.memory_space<vmem>>) attributes {dimension_semantics = [#tpu.dimension_semantics<arbitrary>], iteration_bounds = array<i64: 49>, scalar_prefetch = 0 : i64, scratch_operands = 0 : i64, tpu.core_type = #tpu.core_type<tc>, window_params = [{transform_indices = @transform_0, window_bounds = array<i64: 1024, 112>}, {transform_indices = @transform_1, window_bounds = array<i64: 1024, 112>}, {transform_indices = @transform_2, window_bounds = array<i64: 1, 1, 1024>}, {pipeline_mode = #tpu.pipeline_mode<synchronous>, transform_indices = @transform_3, window_bounds = array<i64: 112, 128>}, {pipeline_mode = #tpu.pipeline_mode<synchronous>, transform_indices = @transform_4, window_bounds = array<i64: 112, 128>}, {pipeline_mode = #tpu.pipeline_mode<synchronous>, transform_indices = @transform_5, window_bounds = array<i64: 1, 128>}, {pipeline_mode = #tpu.pipeline_mode<synchronous>, transform_indices = @transform_6, window_bounds = array<i64: 1, 128>}, {pipeline_mode = #tpu.pipeline_mode<synchronous>, transform_indices = @transform_7, window_bounds = array<i64: 3, 128>}, {pipeline_mode = #tpu.pipeline_mode<synchronous>, transform_indices = @transform_8, window_bounds = array<i64: 64, 3>}, {pipeline_mode = #tpu.pipeline_mode<synchronous>, transform_indices = @transform_9, window_bounds = array<i64: 64, 3>}, {pipeline_mode = #tpu.pipeline_mode<synchronous>, transform_indices = @transform_10, window_bounds = array<i64: 64, 128>}, {pipeline_mode = #tpu.pipeline_mode<synchronous>, transform_indices = @transform_11, window_bounds = array<i64: 64, 128>}, {pipeline_mode = #tpu.pipeline_mode<synchronous>, transform_indices = @transform_12, window_bounds = array<i64: 64, 128>}]} {
    %eq3A = arith.constant 0 : i32
    %eq3A_0 = arith.cmpi eq, %arg0, %eq3A : i32
    %convert_element_type3A = arith.extui %eq3A_0 : i1 to i32
    %cond3A = arith.constant 0 : i32
    %cond3A_1 = arith.cmpi ne, %convert_element_type3A, %cond3A : i32
    scf.if %cond3A_1 {
      %broadcast_in_dim3A_58 = arith.constant 0.000000e+00 : f32
      %broadcast_in_dim3A_59 = vector.broadcast %broadcast_in_dim3A_58 : f32 to vector<64x128xf32>
      %swap3A_60 = arith.constant 0 : index
      %swap3A_61 = arith.constant 0 : index
      %swap3A_62 = vector.load %arg11[%swap3A_60, %swap3A_61] : memref<64x128xf32, #tpu.memory_space<vmem>>, vector<64x128xf32>
      tpu.vector_store %arg11[%swap3A_60, %swap3A_61], %broadcast_in_dim3A_59 {strides = array<i32>} : memref<64x128xf32, #tpu.memory_space<vmem>>, vector<64x128xf32>,
      %broadcast_in_dim3A_63 = arith.constant 0.000000e+00 : f32
      %broadcast_in_dim3A_64 = vector.broadcast %broadcast_in_dim3A_63 : f32 to vector<64x128xf32>
      %swap3A_65 = arith.constant 0 : index
      %swap3A_66 = arith.constant 0 : index
      %swap3A_67 = vector.load %arg12[%swap3A_65, %swap3A_66] : memref<64x128xf32, #tpu.memory_space<vmem>>, vector<64x128xf32>
      tpu.vector_store %arg12[%swap3A_65, %swap3A_66], %broadcast_in_dim3A_64 {strides = array<i32>} : memref<64x128xf32, #tpu.memory_space<vmem>>, vector<64x128xf32>,
      %broadcast_in_dim3A_68 = arith.constant 0.000000e+00 : f32
      %broadcast_in_dim3A_69 = vector.broadcast %broadcast_in_dim3A_68 : f32 to vector<64x128xf32>
      %swap3A_70 = arith.constant 0 : index
      %swap3A_71 = arith.constant 0 : index
      %swap3A_72 = vector.load %arg13[%swap3A_70, %swap3A_71] : memref<64x128xf32, #tpu.memory_space<vmem>>, vector<64x128xf32>
      tpu.vector_store %arg13[%swap3A_70, %swap3A_71], %broadcast_in_dim3A_69 {strides = array<i32>} : memref<64x128xf32, #tpu.memory_space<vmem>>, vector<64x128xf32>,
      %broadcast_in_dim3A_73 = arith.constant 0.000000e+00 : f32
      %broadcast_in_dim3A_74 = vector.broadcast %broadcast_in_dim3A_73 : f32 to vector<64x3xf32>
      %swap3A_75 = arith.constant 0 : index
      %swap3A_76 = arith.constant 0 : index
      %swap3A_77 = vector.load %arg10[%swap3A_75, %swap3A_76] : memref<64x3xf32, #tpu.memory_space<vmem>>, vector<64x3xf32>
      tpu.vector_store %arg10[%swap3A_75, %swap3A_76], %broadcast_in_dim3A_74 {strides = array<i32>} : memref<64x3xf32, #tpu.memory_space<vmem>>, vector<64x3xf32>,
    } else {
    }
    %get3A = arith.constant 0 : index
    %get3A_2 = arith.constant 0 : index
    %get3A_3 = vector.load %arg1[%get3A, %get3A_2] : memref<1024x112xf32, #tpu.memory_space<vmem>>, vector<1024x112xf32>
    %get3A_4 = arith.constant 0 : index
    %get3A_5 = arith.constant 0 : index
    %get3A_6 = vector.load %arg4[%get3A_4, %get3A_5] : memref<112x128xf32, #tpu.memory_space<vmem>>, vector<112x128xf32>
    %dot_general3A = arith.constant dense<0.000000e+00> : vector<1024x128xf32>
    %dot_general3A_7 = tpu.matmul %get3A_3, %get3A_6, %dot_general3A {dimension_numbers = #tpu.dot_dimension_numbers<[1], [0], [0], [1], [0, 0, 1, 1], [], []>, transpose_lhs_hint = false} : vector<1024x112xf32>, vector<112x128xf32>, vector<1024x128xf32> -> vector<1024x128xf32>
    %get3A_8 = arith.constant 0 : index
    %get3A_9 = arith.constant 0 : index
    %get3A_10 = vector.load %arg2[%get3A_8, %get3A_9] : memref<1024x112xf32, #tpu.memory_space<vmem>>, vector<1024x112xf32>
    %get3A_11 = arith.constant 0 : index
    %get3A_12 = arith.constant 0 : index
    %get3A_13 = vector.load %arg5[%get3A_11, %get3A_12] : memref<112x128xf32, #tpu.memory_space<vmem>>, vector<112x128xf32>
    %dot_general3A_14 = arith.constant dense<0.000000e+00> : vector<1024x128xf32>
    %dot_general3A_15 = tpu.matmul %get3A_10, %get3A_13, %dot_general3A_14 {dimension_numbers = #tpu.dot_dimension_numbers<[1], [0], [0], [1], [0, 0, 1, 1], [], []>, transpose_lhs_hint = false} : vector<1024x112xf32>, vector<112x128xf32>, vector<1024x128xf32> -> vector<1024x128xf32>
    %add3A = arith.addf %dot_general3A_7, %dot_general3A_15 : vector<1024x128xf32>
    %get3A_16 = arith.constant 0 : index
    %get3A_17 = arith.constant 0 : index
    %get3A_18 = arith.constant 0 : index
    %get3A_19 = vector.load %arg3[%get3A_16, %get3A_17, %get3A_18] : memref<1x1x1024xi32, #tpu.memory_space<vmem>>, vector<1x1x1024xi32>
    %get3A_20 = vector.shape_cast %get3A_19 : vector<1x1x1024xi32> to vector<1024xi32>
    %iota3A = tpu.iota {dimensions = array<i32: 0>} : vector<64x1024xi32>
    %broadcast_in_dim3A = vector.shape_cast %get3A_20 : vector<1024xi32> to vector<1x1024xi32>
    %eq3A_21 = vector.broadcast %broadcast_in_dim3A : vector<1x1024xi32> to vector<64x1024xi32>
    %eq3A_22 = arith.cmpi eq, %iota3A, %eq3A_21 : vector<64x1024xi32>
    %convert_element_type3A_23 = arith.extui %eq3A_22 : vector<64x1024xi1> to vector<64x1024xi32>
    %convert_element_type3A_24 = arith.sitofp %convert_element_type3A_23 : vector<64x1024xi32> to vector<64x1024xf32>
    %get3A_25 = arith.constant 0 : index
    %get3A_26 = arith.constant 0 : index
    %get3A_27 = vector.load %arg11[%get3A_25, %get3A_26] : memref<64x128xf32, #tpu.memory_space<vmem>>, vector<64x128xf32>
    %dot_general3A_28 = arith.constant dense<0.000000e+00> : vector<64x128xf32>
    %dot_general3A_29 = tpu.matmul %convert_element_type3A_24, %add3A, %dot_general3A_28 {dimension_numbers = #tpu.dot_dimension_numbers<[1], [0], [0], [1], [0, 0, 1, 1], [], []>, transpose_lhs_hint = false} : vector<64x1024xf32>, vector<1024x128xf32>, vector<64x128xf32> -> vector<64x128xf32>
    %add3A_30 = arith.addf %get3A_27, %dot_general3A_29 : vector<64x128xf32>
    %swap3A = arith.constant 0 : index
    %swap3A_31 = arith.constant 0 : index
    %swap3A_32 = vector.load %arg11[%swap3A, %swap3A_31] : memref<64x128xf32, #tpu.memory_space<vmem>>, vector<64x128xf32>
    tpu.vector_store %arg11[%swap3A, %swap3A_31], %add3A_30 {strides = array<i32>} : memref<64x128xf32, #tpu.memory_space<vmem>>, vector<64x128xf32>,
    %get3A_33 = arith.constant 0 : index
    %get3A_34 = arith.constant 0 : index
    %get3A_35 = vector.load %arg12[%get3A_33, %get3A_34] : memref<64x128xf32, #tpu.memory_space<vmem>>, vector<64x128xf32>
    %mul3A = arith.mulf %add3A, %add3A : vector<1024x128xf32>
    %dot_general3A_36 = arith.constant dense<0.000000e+00> : vector<64x128xf32>
    %dot_general3A_37 = tpu.matmul %convert_element_type3A_24, %mul3A, %dot_general3A_36 {dimension_numbers = #tpu.dot_dimension_numbers<[1], [0], [0], [1], [0, 0, 1, 1], [], []>, transpose_lhs_hint = false} : vector<64x1024xf32>, vector<1024x128xf32>, vector<64x128xf32> -> vector<64x128xf32>
    %add3A_38 = arith.addf %get3A_35, %dot_general3A_37 : vector<64x128xf32>
    %swap3A_39 = arith.constant 0 : index
    %swap3A_40 = arith.constant 0 : index
    %swap3A_41 = vector.load %arg12[%swap3A_39, %swap3A_40] : memref<64x128xf32, #tpu.memory_space<vmem>>, vector<64x128xf32>
    tpu.vector_store %arg12[%swap3A_39, %swap3A_40], %add3A_38 {strides = array<i32>} : memref<64x128xf32, #tpu.memory_space<vmem>>, vector<64x128xf32>,
    %get3A_42 = arith.constant 0 : index
    %get3A_43 = arith.constant 0 : index
    %get3A_44 = vector.load %arg13[%get3A_42, %get3A_43] : memref<64x128xf32, #tpu.memory_space<vmem>>, vector<64x128xf32>
    %reduce_sum3A = arith.constant dense<0.000000e+00> : vector<64xf32>
    %reduce_sum3A_45 = vector.multi_reduction <add>, %convert_element_type3A_24, %reduce_sum3A [1] : vector<64x1024xf32> to vector<64xf32>
    %broadcast_in_dim3A_46 = vector.shape_cast %reduce_sum3A_45 : vector<64xf32> to vector<64x1xf32>
    %broadcast_in_dim3A_47 = vector.shape_cast %broadcast_in_dim3A_46 : vector<64x1xf32> to vector<64x1xf32>
    %broadcast_in_dim3A_48 = vector.broadcast %broadcast_in_dim3A_47 : vector<64x1xf32> to vector<64x128xf32>
    %add3A_49 = arith.addf %get3A_44, %broadcast_in_dim3A_48 : vector<64x128xf32>
    %swap3A_50 = arith.constant 0 : index
    %swap3A_51 = arith.constant 0 : index
    %swap3A_52 = vector.load %arg13[%swap3A_50, %swap3A_51] : memref<64x128xf32, #tpu.memory_space<vmem>>, vector<64x128xf32>
    tpu.vector_store %arg13[%swap3A_50, %swap3A_51], %add3A_49 {strides = array<i32>} : memref<64x128xf32, #tpu.memory_space<vmem>>, vector<64x128xf32>,
    %eq3A_53 = arith.constant 48 : i32
    %eq3A_54 = arith.cmpi eq, %arg0, %eq3A_53 : i32
    %convert_element_type3A_55 = arith.extui %eq3A_54 : i1 to i32
    %cond3A_56 = arith.constant 0 : i32
    %cond3A_57 = arith.cmpi ne, %convert_element_type3A_55, %cond3A_56 : i32
    scf.if %cond3A_57 {
      %get3A_58 = arith.constant 0 : index
      %get3A_59 = arith.constant 0 : index
      %get3A_60 = vector.load %arg11[%get3A_58, %get3A_59] : memref<64x128xf32, #tpu.memory_space<vmem>>, vector<64x128xf32>
      %get3A_61 = arith.constant 0 : index
      %get3A_62 = arith.constant 0 : index
      %get3A_63 = vector.load %arg12[%get3A_61, %get3A_62] : memref<64x128xf32, #tpu.memory_space<vmem>>, vector<64x128xf32>
      %get3A_64 = arith.constant 0 : index
      %get3A_65 = arith.constant 0 : index
      %get3A_66 = vector.load %arg13[%get3A_64, %get3A_65] : memref<64x128xf32, #tpu.memory_space<vmem>>, vector<64x128xf32>
      %reduce_sum3A_67 = arith.constant dense<0.000000e+00> : vector<128xf32>
      %reduce_sum3A_68 = vector.multi_reduction <add>, %get3A_60, %reduce_sum3A_67 [0] : vector<64x128xf32> to vector<128xf32>
      %reduce_sum3A_69 = arith.constant dense<0.000000e+00> : vector<128xf32>
      %reduce_sum3A_70 = vector.multi_reduction <add>, %get3A_63, %reduce_sum3A_69 [0] : vector<64x128xf32> to vector<128xf32>
      %div3A = arith.constant 5.000000e+04 : f32
      %div3A_71 = vector.broadcast %div3A : f32 to vector<128xf32>
      %div3A_72 = arith.divf %reduce_sum3A_68, %div3A_71 : vector<128xf32>
      %div3A_73 = arith.constant 5.000000e+04 : f32
      %div3A_74 = vector.broadcast %div3A_73 : f32 to vector<128xf32>
      %div3A_75 = arith.divf %reduce_sum3A_70, %div3A_74 : vector<128xf32>
      %mul3A_76 = arith.mulf %div3A_72, %div3A_72 : vector<128xf32>
      %sub3A = arith.subf %div3A_75, %mul3A_76 : vector<128xf32>
      %get3A_77 = arith.constant 0 : index
      %get3A_78 = arith.constant 0 : index
      %get3A_79 = vector.load %arg6[%get3A_77, %get3A_78] : memref<1x128xf32, #tpu.memory_space<vmem>>, vector<1x128xf32>
      %get3A_80 = vector.shape_cast %get3A_79 : vector<1x128xf32> to vector<128xf32>
      %add3A_81 = arith.constant 9.99999974E-6 : f32
      %add3A_82 = vector.broadcast %add3A_81 : f32 to vector<128xf32>
      %add3A_83 = arith.addf %sub3A, %add3A_82 : vector<128xf32>
      %sqrt3A = math.sqrt %add3A_83 : vector<128xf32>
      %div3A_84 = arith.divf %get3A_80, %sqrt3A : vector<128xf32>
      %get3A_85 = arith.constant 0 : index
      %get3A_86 = arith.constant 0 : index
      %get3A_87 = vector.load %arg7[%get3A_85, %get3A_86] : memref<1x128xf32, #tpu.memory_space<vmem>>, vector<1x128xf32>
      %get3A_88 = vector.shape_cast %get3A_87 : vector<1x128xf32> to vector<128xf32>
      %mul3A_89 = arith.mulf %div3A_72, %div3A_84 : vector<128xf32>
      %sub3A_90 = arith.subf %get3A_88, %mul3A_89 : vector<128xf32>
      %max3A = arith.constant 1.000000e+00 : f32
      %max3A_91 = vector.broadcast %max3A : f32 to vector<64x128xf32>
      %max3A_92 = arith.maximumf %get3A_66, %max3A_91 : vector<64x128xf32>
      %mul3A_93 = arith.mulf %div3A_84, %div3A_84 : vector<128xf32>
      %broadcast_in_dim3A_94 = vector.shape_cast %mul3A_93 : vector<128xf32> to vector<1x128xf32>
      %mul3A_95 = vector.broadcast %broadcast_in_dim3A_94 : vector<1x128xf32> to vector<64x128xf32>
      %mul3A_96 = arith.mulf %mul3A_95, %get3A_63 : vector<64x128xf32>
      %div3A_97 = arith.divf %mul3A_96, %max3A_92 : vector<64x128xf32>
      %mul3A_98 = arith.constant 2.000000e+00 : f32
      %mul3A_99 = vector.broadcast %mul3A_98 : f32 to vector<128xf32>
      %mul3A_100 = arith.mulf %mul3A_99, %div3A_84 : vector<128xf32>
      %mul3A_101 = arith.mulf %mul3A_100, %sub3A_90 : vector<128xf32>
      %broadcast_in_dim3A_102 = vector.shape_cast %mul3A_101 : vector<128xf32> to vector<1x128xf32>
      %mul3A_103 = vector.broadcast %broadcast_in_dim3A_102 : vector<1x128xf32> to vector<64x128xf32>
      %mul3A_104 = arith.mulf %mul3A_103, %get3A_60 : vector<64x128xf32>
      %div3A_105 = arith.divf %mul3A_104, %max3A_92 : vector<64x128xf32>
      %add3A_106 = arith.addf %div3A_97, %div3A_105 : vector<64x128xf32>
      %mul3A_107 = arith.mulf %sub3A_90, %sub3A_90 : vector<128xf32>
      %broadcast_in_dim3A_108 = vector.shape_cast %mul3A_107 : vector<128xf32> to vector<1x128xf32>
      %add3A_109 = vector.broadcast %broadcast_in_dim3A_108 : vector<1x128xf32> to vector<64x128xf32>
      %add3A_110 = arith.addf %add3A_106, %add3A_109 : vector<64x128xf32>
      %max3A_111 = arith.constant 9.99999997E-7 : f32
      %max3A_112 = vector.broadcast %max3A_111 : f32 to vector<64x128xf32>
      %max3A_113 = arith.maximumf %add3A_110, %max3A_112 : vector<64x128xf32>
      %log3A = math.log %max3A_113 : vector<64x128xf32>
      %get3A_114 = arith.constant 0 : index
      %get3A_115 = arith.constant 0 : index
      %get3A_116 = vector.load %arg8[%get3A_114, %get3A_115] : memref<3x128xf32, #tpu.memory_space<vmem>>, vector<3x128xf32>
      %dot_general3A_117 = arith.constant dense<0.000000e+00> : vector<64x3xf32>
      %dot_general3A_118 = tpu.matmul %log3A, %get3A_116, %dot_general3A_117 {dimension_numbers = #tpu.dot_dimension_numbers<[1], [1], [0], [0], [0, 0, 1, 0], [], []>, transpose_lhs_hint = false} : vector<64x128xf32>, vector<3x128xf32>, vector<64x3xf32> -> vector<64x3xf32>
      %get3A_119 = arith.constant 0 : index
      %get3A_120 = arith.constant 0 : index
      %get3A_121 = vector.load %arg9[%get3A_119, %get3A_120] : memref<64x3xf32, #tpu.memory_space<vmem>>, vector<64x3xf32>
      %add3A_122 = arith.addf %dot_general3A_118, %get3A_121 : vector<64x3xf32>
      %logistic3A = arith.negf %add3A_122 : vector<64x3xf32>
      %logistic3A_123 = math.exp %logistic3A : vector<64x3xf32>
      %logistic3A_124 = arith.constant 1.000000e+00 : f32
      %logistic3A_125 = vector.broadcast %logistic3A_124 : f32 to vector<64x3xf32>
      %logistic3A_126 = arith.addf %logistic3A_125, %logistic3A_123 : vector<64x3xf32>
      %logistic3A_127 = arith.divf %logistic3A_125, %logistic3A_126 : vector<64x3xf32>
      %swap3A_128 = arith.constant 0 : index
      %swap3A_129 = arith.constant 0 : index
      %swap3A_130 = vector.load %arg10[%swap3A_128, %swap3A_129] : memref<64x3xf32, #tpu.memory_space<vmem>>, vector<64x3xf32>
      tpu.vector_store %arg10[%swap3A_128, %swap3A_129], %logistic3A_127 {strides = array<i32>} : memref<64x3xf32, #tpu.memory_space<vmem>>, vector<64x3xf32>,
    } else {
    }
    return
  }
  func.func @transform_0(%arg0: i32) -> (i32, i32) {
    %c0_i32 = arith.constant 0 : i32
    %c0_i32_0 = arith.constant 0 : i32
    return %arg0, %c0_i32 : i32, i32
  }
  func.func @transform_1(%arg0: i32) -> (i32, i32) {
    %c0_i32 = arith.constant 0 : i32
    %c0_i32_0 = arith.constant 0 : i32
    return %arg0, %c0_i32 : i32, i32
  }
  func.func @transform_2(%arg0: i32) -> (i32, i32, i32) {
    %c0_i32 = arith.constant 0 : i32
    %c0_i32_0 = arith.constant 0 : i32
    %c0_i32_1 = arith.constant 0 : i32
    return %arg0, %c0_i32, %c0_i32_0 : i32, i32, i32
  }
  func.func @transform_3(%arg0: i32) -> (i32, i32) {
    %c0_i32 = arith.constant 0 : i32
    %c0_i32_0 = arith.constant 0 : i32
    %c0_i32_1 = arith.constant 0 : i32
    return %c0_i32, %c0_i32_0 : i32, i32
  }
  func.func @transform_4(%arg0: i32) -> (i32, i32) {
    %c0_i32 = arith.constant 0 : i32
    %c0_i32_0 = arith.constant 0 : i32
    %c0_i32_1 = arith.constant 0 : i32
    return %c0_i32, %c0_i32_0 : i32, i32
  }
  func.func @transform_5(%arg0: i32) -> (i32, i32) {
    %c0_i32 = arith.constant 0 : i32
    %c0_i32_0 = arith.constant 0 : i32
    %c0_i32_1 = arith.constant 0 : i32
    return %c0_i32, %c0_i32_0 : i32, i32
  }
  func.func @transform_6(%arg0: i32) -> (i32, i32) {
    %c0_i32 = arith.constant 0 : i32
    %c0_i32_0 = arith.constant 0 : i32
    %c0_i32_1 = arith.constant 0 : i32
    return %c0_i32, %c0_i32_0 : i32, i32
  }
  func.func @transform_7(%arg0: i32) -> (i32, i32) {
    %c0_i32 = arith.constant 0 : i32
    %c0_i32_0 = arith.constant 0 : i32
    %c0_i32_1 = arith.constant 0 : i32
    return %c0_i32, %c0_i32_0 : i32, i32
  }
  func.func @transform_8(%arg0: i32) -> (i32, i32) {
    %c0_i32 = arith.constant 0 : i32
    %c0_i32_0 = arith.constant 0 : i32
    %c0_i32_1 = arith.constant 0 : i32
    return %c0_i32, %c0_i32_0 : i32, i32
  }
  func.func @transform_9(%arg0: i32) -> (i32, i32) {
    %c0_i32 = arith.constant 0 : i32
    %c0_i32_0 = arith.constant 0 : i32
    %c0_i32_1 = arith.constant 0 : i32
    return %c0_i32, %c0_i32_0 : i32, i32
  }
  func.func @transform_10(%arg0: i32) -> (i32, i32) {
    %c0_i32 = arith.constant 0 : i32
    %c0_i32_0 = arith.constant 0 : i32
    %c0_i32_1 = arith.constant 0 : i32
    return %c0_i32, %c0_i32_0 : i32, i32
  }
  func.func @transform_11(%arg0: i32) -> (i32, i32) {
    %c0_i32 = arith.constant 0 : i32
    %c0_i32_0 = arith.constant 0 : i32
    %c0_i32_1 = arith.constant 0 : i32
    return %c0_i32, %c0_i32_0 : i32, i32
  }
  func.func @transform_12(%arg0: i32) -> (i32, i32) {
    %c0_i32 = arith.constant 0 : i32
    %c0_i32_0 = arith.constant 0 : i32
    %c0_i32_1 = arith.constant 0 : i32
    return %c0_i32, %c0_i32_0 : i32, i32
  }
}

</mosaic_0001>

<sc_bundles>
// kernel: gather_offload_async_start.1
scs
__scs_entry_jumppad:
0x0: {  	(pc) =	sbr.rel $0x88, $3  }
0x1: {  	(tag) =	ssettag $0x0;
	lr =	simm.s32 $0x1  }
0x2: {  	[smem:$0x3F93] =	sst lr;
	_ =	strace $0xD0000000  }
0x3: {  	_ = 	snop  }
0x4: {  	_ = 	snop  }
0x5: {  	_ = 	snop  }
0x6: {  	_ = 	snop  }
0x7: {  	_ = 	snop  }
__scs_overlays_trampoline_lowered:
0x8: {  	[smem:$0x3FA2] =	sst s0  }
0x9: {  	[smem:$0x3FA3] =	sst s1  }
0xa: {  	[smem:$0x3FA4] =	sst s2  }
0xb: {  	[smem:$0x3FA5] =	sst s3  }
0xc: {  	[smem:$0x3FA6] =	sst s4  }
0xd: {  	[smem:$0x3FA7] =	sst s5  }
0xe: {  	[smem:$0x3FA8] =	sst s6  }
0xf: {  	[smem:$0x3FA9] =	sst s7  }
0x10: {  	[smem:$0x3FAA] =	sst s8  }
0x11: {  	[smem:$0x3FAB] =	sst s9;
	s0 =	simm.s32 @!p0 $0x0  }
0x12: {  	s1 =	sld [smem:$0x3F91];
	s0 =	simm.s32 @p0 $0x1  }
0x13: {  	[smem:$0x3FAC] =	sst s0;
	s0 =	simm.s32 @!p1 $0x0  }
0x14: {  	s2 =	sld [smem:$0x3F90];
	s0 =	simm.s32 @p1 $0x1  }
0x15: {  	[smem:$0x3FAD] =	sst s0;
	s0 =	simm.s32 @!p2 $0x0  }
0x16: {  	s3 =	sld [smem:$0x3FDB];
	s0 =	simm.s32 @p2 $0x1  }
0x17: {  	s4 =	simm.s32 $0x1BF5;
	[smem:$0x3FAF] =	sst s0  }
0x18: {  	s0 =	sld [smem:$0x3F92];
	_ =	swait.ge [sflag:s4], $0x0  }
0x19: {  	s7 =	sld [smem:$0x3F93]  }
0x1a: {  	s8 =	sadd.s32 $0xFFFFE003, lr  }
0x1b: {  	s9 =	sadd.s32 $0xFFFFFEF7, lr;
	s5 =	simm.s32 $0xFFFFFFFF;
	p2 =	slt.u32 s8, $0xFFFFF086  }
0x1c: {  	p1 =	slt.u32 s9, $0xF7A;
	s5 =	simm.s32 @!p2 $0x0  }
0x1d: {  	s5 =	simm.s32 @p1 $0x1;
	p0 =	seq.s32 s7, s2  }
0x1e: {  	s7 =	smul.u32 @!p0 $0xF7A, s2;
	p2 =	seq.s32 @!p0 s5, $0x0  }
0x1f: {  	s9 =	smul.u32 $0xF7A, s1;
	s8 =	simm.s32 @!p0 $0x1BF5;
	p2 =	por !p2, p0  }
0x20: {  	[sflag:s8] =	ssyncset.s32 @!p0 $0xFFFFF086;
	s6 =	sadd.s32 @!p0 s3, s7;
	s7 =	simm.s32 @!p0 $0x108  }
0x21: {  	s3 =	sadd.s32 s3, s9;
	s6 =	sadd.s32 @!p0 $0x88, s6;
	s7 =	simm.s32 @p2 $0x1082  }
0x22: {  	[simem:s7], [sflag:s8] =	dma.local @!p0 [hbm:s6], $0xF7A  }
0x23: {  	s9 =	sor.u32 $0xD0000000, s2;
	s6 =	simm.s32 $0x108;
	_ =	swait.ge @!p0 [sflag:s8], $0x0  }
0x24: {  	s3 =	sadd.s32 $0x88, s3;
	s6 =	simm.s32 @!p1 $0x1082;
	[sflag:s4] =	ssyncset.s32 $0xFFFFF086  }
0x25: {  	[simem:s6], [sflag:s4] =	dma.local [hbm:s3], $0xF7A  }
0x26: {  	[smem:$0x3F93] =	sst s1;
	(tag) =	ssettag s2;
	_ =	strace s9  }
0x27: {  	s1 =	sld [smem:$0x3FA3]  }
0x28: {  	s2 =	sld [smem:$0x3FA4]  }
0x29: {  	s4 =	sld [smem:$0x3FA6]  }
0x2a: {  	p0 =	seq.s32 s5, $0x0;
	s5 =	sld [smem:$0x3FA7]  }
0x2b: {  	s6 =	sld [smem:$0x3FA8]  }
0x2c: {  	s7 =	sld [smem:$0x3FA9]  }
0x2d: {  	s3 =	simm.s32 $0x108;
	s8 =	sld [smem:$0x3FAA]  }
0x2e: {  	s3 =	simm.s32 @!p0 $0x1082;
	s9 =	sld [smem:$0x3FAB]  }
0x2f: {  	lr =	sadd.s32 s0, s3;
	s0 =	sld [smem:$0x3FA2]  }
0x30: {  	s3 =	sld [smem:$0x3FA5]  }
0x31: {  	[smem:$0x3FAE] =	sst s10  }
0x32: {  	s10 =	sld [smem:$0x3FAC];
	_ =	sdelay $0x3  }
0x33: {  	p0 =	seq.s32 s10, $0x1;
	s10 =	sld [smem:$0x3FAE];
	_ =	sdelay $0x3  }
0x34: {  	[smem:$0x3FAE] =	sst s10  }
0x35: {  	s10 =	sld [smem:$0x3FAD];
	_ =	sdelay $0x3  }
0x36: {  	p1 =	seq.s32 s10, $0x1;
	s10 =	sld [smem:$0x3FAE];
	_ =	sdelay $0x3  }
0x37: {  	[smem:$0x3FAE] =	sst s10  }
0x38: {  	s10 =	sld [smem:$0x3FAF]  }
0x39: {  	_ = 	snop;
	(pc) =	sbr.ind lr, $3  }
0x3a: {  	_ = 	snop  }
0x3b: {  	_ = 	snop  }
0x3c: {  	p2 =	seq.s32 s10, $0x1;
	s10 =	sld [smem:$0x3FAE]  }
0x3d: {  	_ =	shalt  }
0x3e: {  	_ =	shalt  }
0x3f: {  	_ =	shalt  }
0x40: {  	_ =	shalt  }
0x41: {  	_ =	shalt  }
0x42: {  	_ =	shalt  }
0x43: {  	_ =	shalt  }
0x44: {  	_ =	shalt  }
0x45: {  	_ =	shalt  }
0x46: {  	_ =	shalt  }
0x47: {  	_ =	shalt  }
0x48: {  	_ =	shalt  }
0x49: {  	_ =	shalt  }
0x4a: {  	_ =	shalt  }
0x4b: {  	_ =	shalt  }
0x4c: {  	_ =	shalt  }
0x4d: {  	_ =	shalt  }
0x4e: {  	_ =	shalt  }
0x4f: {  	_ =	shalt  }
0x50: {  	_ =	shalt  }
0x51: {  	_ =	shalt  }
0x52: {  	_ =	shalt  }
0x53: {  	_ =	shalt  }
0x54: {  	_ =	shalt  }
0x55: {  	_ =	shalt  }
0x56: {  	_ =	shalt  }
0x57: {  	_ =	shalt  }
0x58: {  	_ =	shalt  }
0x59: {  	_ =	shalt  }
0x5a: {  	_ =	shalt  }
0x5b: {  	_ =	shalt  }
0x5c: {  	_ =	shalt  }
0x5d: {  	_ =	shalt  }
0x5e: {  	_ =	shalt  }
0x5f: {  	_ =	shalt  }
0x60: {  	_ =	shalt  }
0x61: {  	_ =	shalt  }
0x62: {  	_ =	shalt  }
0x63: {  	_ =	shalt  }
0x64: {  	_ =	shalt  }
0x65: {  	_ =	shalt  }
0x66: {  	_ =	shalt  }
0x67: {  	_ =	shalt  }
0x68: {  	_ =	shalt  }
0x69: {  	_ =	shalt  }
0x6a: {  	_ =	shalt  }
0x6b: {  	_ =	shalt  }
0x6c: {  	_ =	shalt  }
0x6d: {  	_ =	shalt  }
0x6e: {  	_ =	shalt  }
0x6f: {  	_ =	shalt  }
0x70: {  	_ =	shalt  }
0x71: {  	_ =	shalt  }
0x72: {  	_ =	shalt  }
0x73: {  	_ =	shalt  }
0x74: {  	_ =	shalt  }
0x75: {  	_ =	shalt  }
0x76: {  	_ =	shalt  }
0x77: {  	_ =	shalt  }
0x78: {  	_ =	shalt  }
0x79: {  	_ =	shalt  }
0x7a: {  	_ =	shalt  }
0x7b: {  	_ =	shalt  }
0x7c: {  	_ =	shalt  }
0x7d: {  	_ =	shalt  }
0x7e: {  	_ =	shalt  }
0x7f: {  	_ =	shalt  }
0x80: {  	_ =	shalt  }
0x81: {  	_ =	shalt  }
0x82: {  	_ =	shalt  }
0x83: {  	_ =	shalt  }
0x84: {  	_ =	shalt  }
0x85: {  	_ =	shalt  }
0x86: {  	_ =	shalt  }
0x87: {  	_ =	shalt  }
.Lfunc_end0:
.L_simem_size_0:
called_computation.1_lowered:
.L_overlay_start_0:
0x88: {  	s2 =	sld [smem:$0x3FD9]  }
0x89: {  	s3 =	sld [smem:$0x3FFE];
	_ =	sdelay $0x1  }
0x8a: {  	s1 =	srdreg.scid  }
0x8b: {  	s0 =	sand.u32 $0x1, s1  }
0x8c: {  	s16 =	sshll.u32 s0, $0xA;
	s2 =	sadd.s32 s3, s2  }
0x8d: {  	s2 =	sadd.s32 s2, s16  }
0x8e: {  	[smem:$0x3FBA] =	sst s2  }
0x8f: {  	_ = 	snop  }
0x90: {  	(tm) =	ssettm $0x1  }
0x91: {  	s17 =	sld [smem:$0x3FFB];
	_ =	sdelay $0x3  }
0x92: {  	_ =	strace s17  }
0x93: {  	s2 =	sld [smem:$0x3FFC];
	_ =	sdelay $0x3  }
0x94: {  	_ =	strace s2  }
0x95: {  	s2 =	sld [smem:$0x3FFD];
	_ =	sdelay $0x3  }
0x96: {  	_ =	strace s2  }
0x97: {  	_ =	strace $0x8FFFFFFF  }
0x98: {  	s18 =	sld [smem:$0x3FDB];
	_ =	sdelay $0x1  }
0x99: {  	s19 =	simm.s32 $_scs_section_size  }
0x9a: {  	s4 =	simm.s32 $_size__tile_overlayer_lowered;
	s5 =	simm.s32 $_tile_overlayer_lowered  }
0x9b: {  	s22 =	simm.s32 $0x1BFF;
	s21 =	sshll.u32 s5, $0x1;
	s2 =	sadd.s32 s19, s18  }
0x9c: {  	s6 =	simm.s32 $0x0;
	s20 =	sshll.u32 s4, $0x1;
	s4 =	sadd.s32 s21, s2  }
0x9d: {  	[timem:s6], [sflag:s22] =	dma.local [hbm:s4], s20  }
0x9e: {  	_ =	swait.ge [sflag:s22], s20  }
0x9f: {  	s3 =	ssub.s32 $0x0, s20;
	[sflag:s22] =	ssyncset.done $0x0  }
0xa0: {  	[sflag:s22] =	ssyncadd.s32 s3;
	_ =	sdelay $0x1  }
0xa1: {  	s23 =	simm.s32 $0x1B8B  }
0xa2: {  	_ =	swait.ge [sflag:s23], $0x1  }
0xa3: {  	[sflag:s23] =	ssyncset.done $0x0  }
0xa4: {  	s25 =	simm.s32 $0x1B8E;
	s24 =	sld [smem:$0x3FFE];
	[sflag:s23] =	ssyncadd.s32 $0xFFFFFFFF  }
0xa5: {  	s26 =	simm.s32 $execute0_lowered;
	[smem:$0x3FD2] =	sst s25  }
0xa6: {  	s4 =	sshll.u32 s26, $0x1;
	_ =	strace $0x80000049;
	[dreg:$0x1] =	wrdreg $0xFFFFFFFF  }
0xa7: {  	s28 =	simm.s32 $_size_execute0_lowered;
	s2 =	sadd.s32 s2, s4;
	[dreg:$0x0] =	wrdreg $0x0  }
0xa8: {  	s4 =	sshll.u32 s28, $0x1;
	[dreg:$0x2] =	wrdreg s2  }
0xa9: {  	[dreg:$0x3] =	wrdreg s4  }
0xaa: {  	[dreg:$0x4] =	wrdreg $0xC0  }
0xab: {  	_ =	task [dreg:s6], $0x5FFFF  }
0xac: {  	[dreg:$0x1] =	wrdreg $0xFFFFFFFF  }
0xad: {  	[dreg:$0x0] =	wrdreg $0x60  }
0xae: {  	[dreg:$0x2] =	wrdreg s24  }
0xaf: {  	[dreg:$0x3] =	wrdreg $0x9  }
0xb0: {  	_ =	task.clear_ibuf [dreg:s6], $0x4FFFF;
	_ =	strace $0x90000049  }
0xb1: {  	s29 =	simm.s32 $0x9;
	_ =	strace $0x8000004B  }
0xb2: {  	_ =	swait.ge [sflag:s29], $0x1  }
0xb3: {  	[sflag:s29] =	ssyncadd.s32 $0xFFFFFFFF  }
0xb4: {  	_ =	strace $0x9000004B  }
0xb5: {  	_ =	sfence  }
0xb6: {  	s30 =	sld [smem:$0x0];
	_ =	sdelay $0x2  }
0xb7: {  	s31 =	sshll.u32 s1, $0xD;
	s1 =	sshrl.u32 s1, $0x2  }
0xb8: {  	s3 =	sand.u32 $0x4000, s31;
	s1 =	sadd.s32 s1, s30  }
0xb9: {  	s0 =	sor.u32 s3, s0;
	s1 =	sshll.u32 s1, $0x11  }
0xba: {  	s0 =	sor.u32 s1, s0  }
0xbb: {  	s0 =	sadd.s32 $0x8F2B, s0  }
0xbc: {  	[sflag:s0] =	ssyncadd.remote.s32 $0x1  }
0xbd: {  	_ =	sfence.sel $0xFFFF  }
0xbe: {  	[dreg:$0x0] =	wrdreg $0xFFFFFFFF;
	(pc) =	sbr.abs _section_cstart, $3  }
0xbf: {  	[dreg:$0x1] =	wrdreg $0xFFFFFFFF  }
0xc0: {  	_ =	task.clear_ibuf [dreg:s6], $0x2FFFF;
	_ =	strace $0x9FFFFFFF  }
0xc1: {  	(tm) =	ssettm $0x7FFFFFFF  }
tec
execute0_lowered:
.L_overlay_start_1:
0x0: {  	(tag) =	ssettag $0x1  }
0x1: {  	s8 =	rddreg [dreg:$0x0];
	s1 =	stileid.u32  }
0x2: {  	s2 =	srdreg.scid;
	s0 =	rddreg [dreg:$0x1]  }
0x3: {  	_ =	strace $0x8000004A;
	s5 =	simm.s32 $0x1;
	s9 =	simm.s32 $0x1  }
0x4: {  	s10 =	simm.s32 $0x3;
	s2 =	sand.u32 $0x1, s2;
	s3 =	sshll.u32 s1, $0x1  }
0x5: {  	s13 =	simm.s32 $0x0;
	s12 =	simm.s32 $0x0;
	s6 =	sor.u32 s3, s2  }
0x6: {  	[sflag:s5] =	ssyncpa.u1 $0x0;
	s2 =	sadd.s32 $0x1A000, s8;
	s4 =	smul.u32 $0x4E20, s6  }
0x7: {  	s3 =	sadd.s32 $0x32800, s8;
	p0 =	slt.u32 s6, $0x9;
	s6 =	simm.s32 $0x9C400  }
.Ltmp0:
0x8: {  	s6 =	simm.s32 @!p0 $0x0;
	s7 =	ssub.s32 $0xC3500, s4;
	(pc) =	sbr.rel .LBB2_1-.Ltmp0, $4  }
0x9: {  	s9 =	simm.s32 @!p0 $0x0;
	p0 =	sne.s32 s7, s6;
	s7 =	simm.s32 $0x1  }
0xa: {  	s8 =	sadd.s32 $0x1800, s8;
	s6 =	simm.s32 $0x2;
	s7 =	simm.s32 @!p0 $0x0  }
0xb: {  	s11 =	smov.u32 s4;
	[sflag:s6] =	ssyncpa.u1 $0x0;
	s7 =	sadd.s32 s9, s7  }
0xc: {  	vm0 =	vmmov $0xffff;
	[sflag:s10] =	ssyncpa.u1 $0x0;
	s10 =	simm.s32 $0x0;
	s9 =	sadd.s32 $0x1, s7  }
.LBB2_4:
0xd: {  	v2 =	vnsel vm1, $0x0, v2  }
0xe: {  	vm1 =	vgt.s32 v0, $0x0;
	v2 =	vmin.u32 v2, $0xC34FF  }
0xf: {  	v0 =	vnsel vm1, $0x0, v0  }
0x10: {  	v0 =	vmin.u32 v0, $0xC34FF  }
0x11: {  	[tilespmem:s18], [sflag:$0x1] =	stream.indirect_vreg.gather [hbm4b:s2+s10], $0x1, v1, vm0, $0x4038;
	[tilespmem:$0x13880] =	vst v63  }
0x12: {  	(ifvalue) =	ssetifvalue $0x7FFFFFFF  }
0x13: {  	[tilespmem:s15], [sflag:$0x1] =	stream.indirect_vreg.gather [hbm4b:s2+s10], $0x1, v2, vm0, $0x4038;
	[tilespmem:$0x13880] =	vst v63  }
0x14: {  	s29 =	sadd.s32 $0x10, s15;
	(ifvalue) =	ssetifvalue $0x7FFFFFFF  }
0x15: {  	[tilespmem:s29], [sflag:$0x1] =	stream.indirect_vreg.gather [hbm4b:s2+s10], $0x1, v0, vm0, $0x4038;
	[tilespmem:$0x13880] =	vst v63  }
0x16: {  	_ =	swait.ge [sflag:s5], $0x4E20  }
0x17: {  	s30 =	sshrl.u32 s13, $0x3;
	[sflag:s5] =	ssyncset.done $0x0  }
0x18: {  	s31 =	sand.u32 $0x7, s13;
	s15 =	sadd.s32 s8, s30;
	[sflag:s5] =	ssyncadd.s32 $0xFFFFB1E0  }
0x19: {  	[hbm4b:s15+s31] =	stream.linear.scatter [tilespmem:s14], [sflag:$0x3], $0x4E20, $0x38;
	[tilespmem:$0x13880] =	vst v63  }
.LBB2_5:
0x1a: {  	s15 =	sadd.s32 $0x9C400, s11  }
0x1b: {  	p1 =	sgt.s32 s15, $0xC34FF  }
0x1c: {  	s15 =	smov.u32 @p1 s4;
	p1 =	sne.s32 s12, s9  }
.Ltmp1:
0x1d: {  	p0 =	slt.u32 s12, $0x2;
	(pc) =	sbr.rel @!p1 .LBB2_6-.Ltmp1, $4  }
0x1e: {  	s14 =	simm.s32 @!p0 $0x3  }
0x1f: {  	_ =	swait.ge @!p0 [sflag:s14], $0x4E20  }
0x20: {  	s16 =	sadd.s32 $0x1, s12;
	s13 =	smov.u32 s11;
	[sflag:s14] =	ssyncset.done @!p0 $0x0  }
0x21: {  	s12 =	smov.u32 s16;
	s11 =	smov.u32 s15;
	[sflag:s14] =	ssyncadd.s32 @!p0 $0xFFFFB1E0  }
.LBB2_1:
0x22: {  	p0 =	sge.u32 s12, s7  }
0x23: {  	s14 =	sxor.u32 @!p0 $0x1, s12  }
0x24: {  	s14 =	smul.u32 @!p0 $0x13880, s14  }
0x25: {  	s31 =	sadd.s32 $0xFFFFFFFF, s12;
	s15 =	sshrl.u32 @!p0 s11, $0x3  }
0x26: {  	s16 =	sand.u32 @!p0 $0x7, s11;
	s15 =	sadd.s32 @!p0 s3, s15;
	s14 =	sshra.s32 @!p0 s14, $0x2  }
0x27: {  	[tilespmem:s14], [sflag:$0x2] =	stream.linear.gather @!p0 [hbm4b:s15+s16], $0x4E20, $0x38;
	[tilespmem:$0x13880] =	vst v63  }
0x28: {  	p0 =	sge.u32 s31, s7  }
.Ltmp2:
0x29: {  	_ = 	snop;
	(pc) =	sbr.rel @p0 .LBB2_5-.Ltmp2, $1  }
0x2a: {  	_ =	sdelay $0x3  }
0x2b: {  	s14 =	sand.u32 $0x1, s12  }
0x2c: {  	_ =	swait.ge [sflag:s6], $0x4E20;
	p0 =	seq.s32 s14, $0x1;
	s14 =	simm.s32 $0x4E20  }
0x2d: {  	[sflag:s6] =	ssyncset.done $0x0;
	s14 =	simm.s32 @!p0 $0x0  }
0x2e: {  	[sflag:s6] =	ssyncadd.s32 $0xFFFFB1E0;
	(ifvalue) =	ssetifvalue $0x7FFFFFFF;
	v0 =	vld.msk [tilespmem:s14+$0x0 ss:$0x1], $0xffff;
	_ =	sdelay $0x4  }
0x2f: {  	s15 =	sadd.s32 $0x10, s14;
	vm1 =	vgt.s32 v0, $0x0  }
0x30: {  	v2 =	vld.msk [tilespmem:s15+$0x0 ss:$0x1], $0xffff;
	v1 =	vnsel vm1, $0x0, v0  }
0x31: {  	v1 =	vmin.u32 v1, $0xC34FF;
	_ =	sdelay $0x2  }
0x32: {  	s17 =	simm.s32 $0x20;
	s14 =	sadd.s32 $0x9C40, s14;
	s16 =	sadd.s32 $0x10, s15  }
0x33: {  	s15 =	sadd.s32 $0x10, s14;
	s18 =	smov.u32 s14;
	v0 =	vld.msk [tilespmem:s16+$0x0 ss:$0x1], $0xffff;
	vm1 =	vgt.s32 v2, $0x0;
	(ifvalue) =	ssetifvalue $0x7FFFFFFF  }
.LBB2_3:
0x34: {  	[tilespmem:s18], [sflag:$0x1] =	stream.indirect_vreg.gather [hbm4b:s2+s10], $0x1, v1, vm0, $0x4038;
	[tilespmem:$0x13880] =	vst v63  }
0x35: {  	s17 =	sadd.s32 $0x10, s17  }
0x36: {  	v2 =	vnsel vm1, $0x0, v2;
	p0 =	slt.u32 s17, $0x4E10  }
.Ltmp3:
0x37: {  	s18 =	smov.u32 s15;
	v1 =	vmin.u32 v2, $0xC34FF;
	(pc) =	sbr.rel @p0 .LBB2_3-.Ltmp3, $3  }
0x38: {  	_ =	sdelay $0x1  }
0x39: {  	s16 =	sadd.s32 $0x10, s16  }
0x3a: {  	vm1 =	vgt.s32 v0, $0x0;
	s15 =	sadd.s32 $0x10, s15;
	v2 =	vmov v0;
	(ifvalue) =	ssetifvalue $0x7FFFFFFF;
	v0 =	vld.msk [tilespmem:s16+$0x0 ss:$0x1], $0xffff  }
.Ltmp4:
0x3b: {  	_ = 	snop;
	(pc) =	sbr.rel .LBB2_4-.Ltmp4, $1  }
0x3c: {  	_ =	sdelay $0x3  }
.LBB2_6:
0x3d: {  	_ =	sfence.sel $0x180000  }
0x3e: {  	s2 =	simm.s32 $0x2;
	[bflag:$0x0] =	sbarrier.arrive $0xFFFF  }
0x3f: {  	s30 =	simm.s32 $0x3;
	[sflag:s2] =	ssyncpa.u1 $0x1  }
0x40: {  	s31 =	simm.s32 $0x1;
	[sflag:s30] =	ssyncpa.u1 $0x1  }
0x41: {  	[sflag:s31] =	ssyncpa.u1 $0x1  }
0x42: {  	p0 =	sne.s32 s1, $0x0;
	_ =	strace $0x9000004A  }
0x43: {  	s0 =	sadd.s32 @!p0 $0x100000, s0;
	[bflag:$0x2] =	sbarrier.arrive $0xFFFF  }
0x44: {  	[sflag:s0] =	ssyncadd.tile.s32 @!p0 $0x1;
	_ =	shalt  }
.Lfunc_end2:
_tile_overlayer_lowered:
.L_overlay_start_2:
0x45: {  	(tag) =	ssettag $0x2  }
0x46: {  	s0 =	rddreg [dreg:$0x0];
	s2 =	stileid.u32  }
0x47: {  	s1 =	rddreg [dreg:$0x1];
	p0 =	sne.s32 s2, $0x0  }
0x48: {  	s3 =	rddreg [dreg:$0x2];
	[bflag:$0x3] =	sbarrier.arrive $0xFFFF;
	s2 =	simm.s32 @!p0 $0x1C01  }
0x49: {  	[timem:s3], [sflag:s2] =	dma.local @!p0 [hbm:s0], s1  }
0x4a: {  	s0 =	simm.s32 @!p0 $0x1  }
0x4b: {  	_ =	swait.ge @!p0 [sflag:s0], s1  }
0x4c: {  	s1 =	ssub.s32 @!p0 $0x0, s1;
	[sflag:s0] =	ssyncset.done @!p0 $0x0  }
0x4d: {  	[sflag:s0] =	ssyncadd.s32 @!p0 s1  }
0x4e: {  	[bflag:$0x3] =	sbarrier.arrive $0xFFFF  }
0x4f: {  	_ =	shalt  }

// kernel: gather_offload_async_start
scs
__scs_entry_jumppad:
0x0: {  	(pc) =	sbr.rel $0x88, $3  }
0x1: {  	(tag) =	ssettag $0x0;
	lr =	simm.s32 $0x1  }
0x2: {  	[smem:$0x3F93] =	sst lr;
	_ =	strace $0xD0000000  }
0x3: {  	_ = 	snop  }
0x4: {  	_ = 	snop  }
0x5: {  	_ = 	snop  }
0x6: {  	_ = 	snop  }
0x7: {  	_ = 	snop  }
__scs_overlays_trampoline_lowered:
0x8: {  	[smem:$0x3FA2] =	sst s0  }
0x9: {  	[smem:$0x3FA3] =	sst s1  }
0xa: {  	[smem:$0x3FA4] =	sst s2  }
0xb: {  	[smem:$0x3FA5] =	sst s3  }
0xc: {  	[smem:$0x3FA6] =	sst s4  }
0xd: {  	[smem:$0x3FA7] =	sst s5  }
0xe: {  	[smem:$0x3FA8] =	sst s6  }
0xf: {  	[smem:$0x3FA9] =	sst s7  }
0x10: {  	[smem:$0x3FAA] =	sst s8  }
0x11: {  	[smem:$0x3FAB] =	sst s9;
	s0 =	simm.s32 @!p0 $0x0  }
0x12: {  	s1 =	sld [smem:$0x3F91];
	s0 =	simm.s32 @p0 $0x1  }
0x13: {  	[smem:$0x3FAC] =	sst s0;
	s0 =	simm.s32 @!p1 $0x0  }
0x14: {  	s2 =	sld [smem:$0x3F90];
	s0 =	simm.s32 @p1 $0x1  }
0x15: {  	[smem:$0x3FAD] =	sst s0;
	s0 =	simm.s32 @!p2 $0x0  }
0x16: {  	s3 =	sld [smem:$0x3FDB];
	s0 =	simm.s32 @p2 $0x1  }
0x17: {  	s4 =	simm.s32 $0x1BF5;
	[smem:$0x3FAF] =	sst s0  }
0x18: {  	s0 =	sld [smem:$0x3F92];
	_ =	swait.ge [sflag:s4], $0x0  }
0x19: {  	s7 =	sld [smem:$0x3F93]  }
0x1a: {  	s8 =	sadd.s32 $0xFFFFE003, lr  }
0x1b: {  	s9 =	sadd.s32 $0xFFFFFEF7, lr;
	s5 =	simm.s32 $0xFFFFFFFF;
	p2 =	slt.u32 s8, $0xFFFFF086  }
0x1c: {  	p1 =	slt.u32 s9, $0xF7A;
	s5 =	simm.s32 @!p2 $0x0  }
0x1d: {  	s5 =	simm.s32 @p1 $0x1;
	p0 =	seq.s32 s7, s2  }
0x1e: {  	s7 =	smul.u32 @!p0 $0xF7A, s2;
	p2 =	seq.s32 @!p0 s5, $0x0  }
0x1f: {  	s9 =	smul.u32 $0xF7A, s1;
	s8 =	simm.s32 @!p0 $0x1BF5;
	p2 =	por !p2, p0  }
0x20: {  	[sflag:s8] =	ssyncset.s32 @!p0 $0xFFFFF086;
	s6 =	sadd.s32 @!p0 s3, s7;
	s7 =	simm.s32 @!p0 $0x108  }
0x21: {  	s3 =	sadd.s32 s3, s9;
	s6 =	sadd.s32 @!p0 $0x88, s6;
	s7 =	simm.s32 @p2 $0x1082  }
0x22: {  	[simem:s7], [sflag:s8] =	dma.local @!p0 [hbm:s6], $0xF7A  }
0x23: {  	s9 =	sor.u32 $0xD0000000, s2;
	s6 =	simm.s32 $0x108;
	_ =	swait.ge @!p0 [sflag:s8], $0x0  }
0x24: {  	s3 =	sadd.s32 $0x88, s3;
	s6 =	simm.s32 @!p1 $0x1082;
	[sflag:s4] =	ssyncset.s32 $0xFFFFF086  }
0x25: {  	[simem:s6], [sflag:s4] =	dma.local [hbm:s3], $0xF7A  }
0x26: {  	[smem:$0x3F93] =	sst s1;
	(tag) =	ssettag s2;
	_ =	strace s9  }
0x27: {  	s1 =	sld [smem:$0x3FA3]  }
0x28: {  	s2 =	sld [smem:$0x3FA4]  }
0x29: {  	s4 =	sld [smem:$0x3FA6]  }
0x2a: {  	p0 =	seq.s32 s5, $0x0;
	s5 =	sld [smem:$0x3FA7]  }
0x2b: {  	s6 =	sld [smem:$0x3FA8]  }
0x2c: {  	s7 =	sld [smem:$0x3FA9]  }
0x2d: {  	s3 =	simm.s32 $0x108;
	s8 =	sld [smem:$0x3FAA]  }
0x2e: {  	s3 =	simm.s32 @!p0 $0x1082;
	s9 =	sld [smem:$0x3FAB]  }
0x2f: {  	lr =	sadd.s32 s0, s3;
	s0 =	sld [smem:$0x3FA2]  }
0x30: {  	s3 =	sld [smem:$0x3FA5]  }
0x31: {  	[smem:$0x3FAE] =	sst s10  }
0x32: {  	s10 =	sld [smem:$0x3FAC];
	_ =	sdelay $0x3  }
0x33: {  	p0 =	seq.s32 s10, $0x1;
	s10 =	sld [smem:$0x3FAE];
	_ =	sdelay $0x3  }
0x34: {  	[smem:$0x3FAE] =	sst s10  }
0x35: {  	s10 =	sld [smem:$0x3FAD];
	_ =	sdelay $0x3  }
0x36: {  	p1 =	seq.s32 s10, $0x1;
	s10 =	sld [smem:$0x3FAE];
	_ =	sdelay $0x3  }
0x37: {  	[smem:$0x3FAE] =	sst s10  }
0x38: {  	s10 =	sld [smem:$0x3FAF]  }
0x39: {  	_ = 	snop;
	(pc) =	sbr.ind lr, $3  }
0x3a: {  	_ = 	snop  }
0x3b: {  	_ = 	snop  }
0x3c: {  	p2 =	seq.s32 s10, $0x1;
	s10 =	sld [smem:$0x3FAE]  }
0x3d: {  	_ =	shalt  }
0x3e: {  	_ =	shalt  }
0x3f: {  	_ =	shalt  }
0x40: {  	_ =	shalt  }
0x41: {  	_ =	shalt  }
0x42: {  	_ =	shalt  }
0x43: {  	_ =	shalt  }
0x44: {  	_ =	shalt  }
0x45: {  	_ =	shalt  }
0x46: {  	_ =	shalt  }
0x47: {  	_ =	shalt  }
0x48: {  	_ =	shalt  }
0x49: {  	_ =	shalt  }
0x4a: {  	_ =	shalt  }
0x4b: {  	_ =	shalt  }
0x4c: {  	_ =	shalt  }
0x4d: {  	_ =	shalt  }
0x4e: {  	_ =	shalt  }
0x4f: {  	_ =	shalt  }
0x50: {  	_ =	shalt  }
0x51: {  	_ =	shalt  }
0x52: {  	_ =	shalt  }
0x53: {  	_ =	shalt  }
0x54: {  	_ =	shalt  }
0x55: {  	_ =	shalt  }
0x56: {  	_ =	shalt  }
0x57: {  	_ =	shalt  }
0x58: {  	_ =	shalt  }
0x59: {  	_ =	shalt  }
0x5a: {  	_ =	shalt  }
0x5b: {  	_ =	shalt  }
0x5c: {  	_ =	shalt  }
0x5d: {  	_ =	shalt  }
0x5e: {  	_ =	shalt  }
0x5f: {  	_ =	shalt  }
0x60: {  	_ =	shalt  }
0x61: {  	_ =	shalt  }
0x62: {  	_ =	shalt  }
0x63: {  	_ =	shalt  }
0x64: {  	_ =	shalt  }
0x65: {  	_ =	shalt  }
0x66: {  	_ =	shalt  }
0x67: {  	_ =	shalt  }
0x68: {  	_ =	shalt  }
0x69: {  	_ =	shalt  }
0x6a: {  	_ =	shalt  }
0x6b: {  	_ =	shalt  }
0x6c: {  	_ =	shalt  }
0x6d: {  	_ =	shalt  }
0x6e: {  	_ =	shalt  }
0x6f: {  	_ =	shalt  }
0x70: {  	_ =	shalt  }
0x71: {  	_ =	shalt  }
0x72: {  	_ =	shalt  }
0x73: {  	_ =	shalt  }
0x74: {  	_ =	shalt  }
0x75: {  	_ =	shalt  }
0x76: {  	_ =	shalt  }
0x77: {  	_ =	shalt  }
0x78: {  	_ =	shalt  }
0x79: {  	_ =	shalt  }
0x7a: {  	_ =	shalt  }
0x7b: {  	_ =	shalt  }
0x7c: {  	_ =	shalt  }
0x7d: {  	_ =	shalt  }
0x7e: {  	_ =	shalt  }
0x7f: {  	_ =	shalt  }
0x80: {  	_ =	shalt  }
0x81: {  	_ =	shalt  }
0x82: {  	_ =	shalt  }
0x83: {  	_ =	shalt  }
0x84: {  	_ =	shalt  }
0x85: {  	_ =	shalt  }
0x86: {  	_ =	shalt  }
0x87: {  	_ =	shalt  }
.Lfunc_end0:
.L_simem_size_0:
called_computation_lowered:
.L_overlay_start_0:
0x88: {  	s2 =	sld [smem:$0x3FD9]  }
0x89: {  	s3 =	sld [smem:$0x3FFE];
	_ =	sdelay $0x1  }
0x8a: {  	s1 =	srdreg.scid  }
0x8b: {  	s0 =	sand.u32 $0x1, s1  }
0x8c: {  	s16 =	sshll.u32 s0, $0xA;
	s2 =	sadd.s32 s3, s2  }
0x8d: {  	s2 =	sadd.s32 s2, s16  }
0x8e: {  	[smem:$0x3FBA] =	sst s2  }
0x8f: {  	_ = 	snop  }
0x90: {  	(tm) =	ssettm $0x1  }
0x91: {  	s17 =	sld [smem:$0x3FFB];
	_ =	sdelay $0x3  }
0x92: {  	_ =	strace s17  }
0x93: {  	s2 =	sld [smem:$0x3FFC];
	_ =	sdelay $0x3  }
0x94: {  	_ =	strace s2  }
0x95: {  	s2 =	sld [smem:$0x3FFD];
	_ =	sdelay $0x3  }
0x96: {  	_ =	strace s2  }
0x97: {  	_ =	strace $0x8FFFFFFF  }
0x98: {  	s18 =	sld [smem:$0x3FDB];
	_ =	sdelay $0x1  }
0x99: {  	s19 =	simm.s32 $_scs_section_size  }
0x9a: {  	s4 =	simm.s32 $_size__tile_overlayer_lowered;
	s5 =	simm.s32 $_tile_overlayer_lowered  }
0x9b: {  	s22 =	simm.s32 $0x1BFF;
	s21 =	sshll.u32 s5, $0x1;
	s2 =	sadd.s32 s19, s18  }
0x9c: {  	s6 =	simm.s32 $0x0;
	s20 =	sshll.u32 s4, $0x1;
	s4 =	sadd.s32 s21, s2  }
0x9d: {  	[timem:s6], [sflag:s22] =	dma.local [hbm:s4], s20  }
0x9e: {  	_ =	swait.ge [sflag:s22], s20  }
0x9f: {  	s3 =	ssub.s32 $0x0, s20;
	[sflag:s22] =	ssyncset.done $0x0  }
0xa0: {  	[sflag:s22] =	ssyncadd.s32 s3;
	_ =	sdelay $0x1  }
0xa1: {  	s23 =	simm.s32 $0x1B8B  }
0xa2: {  	_ =	swait.ge [sflag:s23], $0x1  }
0xa3: {  	[sflag:s23] =	ssyncset.done $0x0  }
0xa4: {  	s25 =	simm.s32 $0x1B8E;
	s24 =	sld [smem:$0x3FFE];
	[sflag:s23] =	ssyncadd.s32 $0xFFFFFFFF  }
0xa5: {  	s26 =	simm.s32 $execute0_lowered;
	[smem:$0x3FD2] =	sst s25  }
0xa6: {  	s4 =	sshll.u32 s26, $0x1;
	_ =	strace $0x80000046;
	[dreg:$0x1] =	wrdreg $0xFFFFFFFF  }
0xa7: {  	s28 =	simm.s32 $_size_execute0_lowered;
	s2 =	sadd.s32 s2, s4;
	[dreg:$0x0] =	wrdreg $0x0  }
0xa8: {  	s4 =	sshll.u32 s28, $0x1;
	[dreg:$0x2] =	wrdreg s2  }
0xa9: {  	[dreg:$0x3] =	wrdreg s4  }
0xaa: {  	[dreg:$0x4] =	wrdreg $0xC0  }
0xab: {  	_ =	task [dreg:s6], $0x5FFFF  }
0xac: {  	[dreg:$0x1] =	wrdreg $0xFFFFFFFF  }
0xad: {  	[dreg:$0x0] =	wrdreg $0x60  }
0xae: {  	[dreg:$0x2] =	wrdreg s24  }
0xaf: {  	[dreg:$0x3] =	wrdreg $0x9  }
0xb0: {  	_ =	task.clear_ibuf [dreg:s6], $0x4FFFF;
	_ =	strace $0x90000046  }
0xb1: {  	s29 =	simm.s32 $0x9;
	_ =	strace $0x80000048  }
0xb2: {  	_ =	swait.ge [sflag:s29], $0x1  }
0xb3: {  	[sflag:s29] =	ssyncadd.s32 $0xFFFFFFFF  }
0xb4: {  	_ =	strace $0x90000048  }
0xb5: {  	_ =	sfence  }
0xb6: {  	s30 =	sld [smem:$0x0];
	_ =	sdelay $0x2  }
0xb7: {  	s31 =	sshll.u32 s1, $0xD;
	s1 =	sshrl.u32 s1, $0x2  }
0xb8: {  	s3 =	sand.u32 $0x4000, s31;
	s1 =	sadd.s32 s1, s30  }
0xb9: {  	s0 =	sor.u32 s3, s0;
	s1 =	sshll.u32 s1, $0x11  }
0xba: {  	s0 =	sor.u32 s1, s0  }
0xbb: {  	s0 =	sadd.s32 $0x8F2B, s0  }
0xbc: {  	[sflag:s0] =	ssyncadd.remote.s32 $0x1  }
0xbd: {  	_ =	sfence.sel $0xFFFF  }
0xbe: {  	[dreg:$0x0] =	wrdreg $0xFFFFFFFF;
	(pc) =	sbr.abs _section_cstart, $3  }
0xbf: {  	[dreg:$0x1] =	wrdreg $0xFFFFFFFF  }
0xc0: {  	_ =	task.clear_ibuf [dreg:s6], $0x2FFFF;
	_ =	strace $0x9FFFFFFF  }
0xc1: {  	(tm) =	ssettm $0x7FFFFFFF  }
tec
execute0_lowered:
.L_overlay_start_1:
0x0: {  	(tag) =	ssettag $0x1  }
0x1: {  	s8 =	rddreg [dreg:$0x0];
	s1 =	stileid.u32  }
0x2: {  	s2 =	srdreg.scid;
	s0 =	rddreg [dreg:$0x1]  }
0x3: {  	_ =	strace $0x80000047;
	s5 =	simm.s32 $0x1;
	s9 =	simm.s32 $0x1  }
0x4: {  	s10 =	simm.s32 $0x3;
	s2 =	sand.u32 $0x1, s2;
	s3 =	sshll.u32 s1, $0x1  }
0x5: {  	s13 =	simm.s32 $0x0;
	s12 =	simm.s32 $0x0;
	s6 =	sor.u32 s3, s2  }
0x6: {  	[sflag:s5] =	ssyncpa.u1 $0x0;
	s2 =	sadd.s32 $0x1800, s8;
	s4 =	smul.u32 $0x4E20, s6  }
0x7: {  	s3 =	sadd.s32 $0x32800, s8;
	p0 =	slt.u32 s6, $0x9;
	s6 =	simm.s32 $0x9C400  }
.Ltmp0:
0x8: {  	s6 =	simm.s32 @!p0 $0x0;
	s7 =	ssub.s32 $0xC3500, s4;
	(pc) =	sbr.rel .LBB2_1-.Ltmp0, $4  }
0x9: {  	s9 =	simm.s32 @!p0 $0x0;
	p0 =	sne.s32 s7, s6;
	s7 =	simm.s32 $0x1  }
0xa: {  	s8 =	sadd.s32 $0x10F000, s8;
	s6 =	simm.s32 $0x2;
	s7 =	simm.s32 @!p0 $0x0  }
0xb: {  	s11 =	smov.u32 s4;
	[sflag:s6] =	ssyncpa.u1 $0x0;
	s7 =	sadd.s32 s9, s7  }
0xc: {  	vm0 =	vmmov $0xffff;
	[sflag:s10] =	ssyncpa.u1 $0x0;
	s10 =	simm.s32 $0x0;
	s9 =	sadd.s32 $0x1, s7  }
.LBB2_4:
0xd: {  	v2 =	vnsel vm1, $0x0, v2  }
0xe: {  	vm1 =	vgt.s32 v0, $0x0;
	v2 =	vmin.u32 v2, $0xC34FF  }
0xf: {  	v0 =	vnsel vm1, $0x0, v0  }
0x10: {  	v0 =	vmin.u32 v0, $0xC34FF  }
0x11: {  	[tilespmem:s18], [sflag:$0x1] =	stream.indirect_vreg.gather [hbm4b:s2+s10], $0x1, v1, vm0, $0x4038;
	[tilespmem:$0x13880] =	vst v63  }
0x12: {  	(ifvalue) =	ssetifvalue $0x7FFFFFFF  }
0x13: {  	[tilespmem:s15], [sflag:$0x1] =	stream.indirect_vreg.gather [hbm4b:s2+s10], $0x1, v2, vm0, $0x4038;
	[tilespmem:$0x13880] =	vst v63  }
0x14: {  	s29 =	sadd.s32 $0x10, s15;
	(ifvalue) =	ssetifvalue $0x7FFFFFFF  }
0x15: {  	[tilespmem:s29], [sflag:$0x1] =	stream.indirect_vreg.gather [hbm4b:s2+s10], $0x1, v0, vm0, $0x4038;
	[tilespmem:$0x13880] =	vst v63  }
0x16: {  	_ =	swait.ge [sflag:s5], $0x4E20  }
0x17: {  	s30 =	sshrl.u32 s13, $0x3;
	[sflag:s5] =	ssyncset.done $0x0  }
0x18: {  	s31 =	sand.u32 $0x7, s13;
	s15 =	sadd.s32 s8, s30;
	[sflag:s5] =	ssyncadd.s32 $0xFFFFB1E0  }
0x19: {  	[hbm4b:s15+s31] =	stream.linear.scatter [tilespmem:s14], [sflag:$0x3], $0x4E20, $0x38;
	[tilespmem:$0x13880] =	vst v63  }
.LBB2_5:
0x1a: {  	s15 =	sadd.s32 $0x9C400, s11  }
0x1b: {  	p1 =	sgt.s32 s15, $0xC34FF  }
0x1c: {  	s15 =	smov.u32 @p1 s4;
	p1 =	sne.s32 s12, s9  }
.Ltmp1:
0x1d: {  	p0 =	slt.u32 s12, $0x2;
	(pc) =	sbr.rel @!p1 .LBB2_6-.Ltmp1, $4  }
0x1e: {  	s14 =	simm.s32 @!p0 $0x3  }
0x1f: {  	_ =	swait.ge @!p0 [sflag:s14], $0x4E20  }
0x20: {  	s16 =	sadd.s32 $0x1, s12;
	s13 =	smov.u32 s11;
	[sflag:s14] =	ssyncset.done @!p0 $0x0  }
0x21: {  	s12 =	smov.u32 s16;
	s11 =	smov.u32 s15;
	[sflag:s14] =	ssyncadd.s32 @!p0 $0xFFFFB1E0  }
.LBB2_1:
0x22: {  	p0 =	sge.u32 s12, s7  }
0x23: {  	s14 =	sxor.u32 @!p0 $0x1, s12  }
0x24: {  	s14 =	smul.u32 @!p0 $0x13880, s14  }
0x25: {  	s31 =	sadd.s32 $0xFFFFFFFF, s12;
	s15 =	sshrl.u32 @!p0 s11, $0x3  }
0x26: {  	s16 =	sand.u32 @!p0 $0x7, s11;
	s15 =	sadd.s32 @!p0 s3, s15;
	s14 =	sshra.s32 @!p0 s14, $0x2  }
0x27: {  	[tilespmem:s14], [sflag:$0x2] =	stream.linear.gather @!p0 [hbm4b:s15+s16], $0x4E20, $0x38;
	[tilespmem:$0x13880] =	vst v63  }
0x28: {  	p0 =	sge.u32 s31, s7  }
.Ltmp2:
0x29: {  	_ = 	snop;
	(pc) =	sbr.rel @p0 .LBB2_5-.Ltmp2, $1  }
0x2a: {  	_ =	sdelay $0x3  }
0x2b: {  	s14 =	sand.u32 $0x1, s12  }
0x2c: {  	_ =	swait.ge [sflag:s6], $0x4E20;
	p0 =	seq.s32 s14, $0x1;
	s14 =	simm.s32 $0x4E20  }
0x2d: {  	[sflag:s6] =	ssyncset.done $0x0;
	s14 =	simm.s32 @!p0 $0x0  }
0x2e: {  	[sflag:s6] =	ssyncadd.s32 $0xFFFFB1E0;
	(ifvalue) =	ssetifvalue $0x7FFFFFFF;
	v0 =	vld.msk [tilespmem:s14+$0x0 ss:$0x1], $0xffff;
	_ =	sdelay $0x4  }
0x2f: {  	s15 =	sadd.s32 $0x10, s14;
	vm1 =	vgt.s32 v0, $0x0  }
0x30: {  	v2 =	vld.msk [tilespmem:s15+$0x0 ss:$0x1], $0xffff;
	v1 =	vnsel vm1, $0x0, v0  }
0x31: {  	v1 =	vmin.u32 v1, $0xC34FF;
	_ =	sdelay $0x2  }
0x32: {  	s17 =	simm.s32 $0x20;
	s14 =	sadd.s32 $0x9C40, s14;
	s16 =	sadd.s32 $0x10, s15  }
0x33: {  	s15 =	sadd.s32 $0x10, s14;
	s18 =	smov.u32 s14;
	v0 =	vld.msk [tilespmem:s16+$0x0 ss:$0x1], $0xffff;
	vm1 =	vgt.s32 v2, $0x0;
	(ifvalue) =	ssetifvalue $0x7FFFFFFF  }
.LBB2_3:
0x34: {  	[tilespmem:s18], [sflag:$0x1] =	stream.indirect_vreg.gather [hbm4b:s2+s10], $0x1, v1, vm0, $0x4038;
	[tilespmem:$0x13880] =	vst v63  }
0x35: {  	s17 =	sadd.s32 $0x10, s17  }
0x36: {  	v2 =	vnsel vm1, $0x0, v2;
	p0 =	slt.u32 s17, $0x4E10  }
.Ltmp3:
0x37: {  	s18 =	smov.u32 s15;
	v1 =	vmin.u32 v2, $0xC34FF;
	(pc) =	sbr.rel @p0 .LBB2_3-.Ltmp3, $3  }
0x38: {  	_ =	sdelay $0x1  }
0x39: {  	s16 =	sadd.s32 $0x10, s16  }
0x3a: {  	vm1 =	vgt.s32 v0, $0x0;
	s15 =	sadd.s32 $0x10, s15;
	v2 =	vmov v0;
	(ifvalue) =	ssetifvalue $0x7FFFFFFF;
	v0 =	vld.msk [tilespmem:s16+$0x0 ss:$0x1], $0xffff  }
.Ltmp4:
0x3b: {  	_ = 	snop;
	(pc) =	sbr.rel .LBB2_4-.Ltmp4, $1  }
0x3c: {  	_ =	sdelay $0x3  }
.LBB2_6:
0x3d: {  	_ =	sfence.sel $0x180000  }
0x3e: {  	s2 =	simm.s32 $0x2;
	[bflag:$0x0] =	sbarrier.arrive $0xFFFF  }
0x3f: {  	s30 =	simm.s32 $0x3;
	[sflag:s2] =	ssyncpa.u1 $0x1  }
0x40: {  	s31 =	simm.s32 $0x1;
	[sflag:s30] =	ssyncpa.u1 $0x1  }
0x41: {  	[sflag:s31] =	ssyncpa.u1 $0x1  }
0x42: {  	p0 =	sne.s32 s1, $0x0;
	_ =	strace $0x90000047  }
0x43: {  	s0 =	sadd.s32 @!p0 $0x100000, s0;
	[bflag:$0x2] =	sbarrier.arrive $0xFFFF  }
0x44: {  	[sflag:s0] =	ssyncadd.tile.s32 @!p0 $0x1;
	_ =	shalt  }
.Lfunc_end2:
_tile_overlayer_lowered:
.L_overlay_start_2:
0x45: {  	(tag) =	ssettag $0x2  }
0x46: {  	s0 =	rddreg [dreg:$0x0];
	s2 =	stileid.u32  }
0x47: {  	s1 =	rddreg [dreg:$0x1];
	p0 =	sne.s32 s2, $0x0  }
0x48: {  	s3 =	rddreg [dreg:$0x2];
	[bflag:$0x3] =	sbarrier.arrive $0xFFFF;
	s2 =	simm.s32 @!p0 $0x1C01  }
0x49: {  	[timem:s3], [sflag:s2] =	dma.local @!p0 [hbm:s0], s1  }
0x4a: {  	s0 =	simm.s32 @!p0 $0x1  }
0x4b: {  	_ =	swait.ge @!p0 [sflag:s0], s1  }
0x4c: {  	s1 =	ssub.s32 @!p0 $0x0, s1;
	[sflag:s0] =	ssyncset.done @!p0 $0x0  }
0x4d: {  	[sflag:s0] =	ssyncadd.s32 @!p0 s1  }
0x4e: {  	[bflag:$0x3] =	sbarrier.arrive $0xFFFF  }
0x4f: {  	_ =	shalt  }

// kernel: kernel.5.cloned.1.call-start
scs
__scs_entry_jumppad:
0x0: {  	(pc) =	sbr.rel $0x88, $3  }
0x1: {  	(tag) =	ssettag $0x0;
	lr =	simm.s32 $0x1  }
0x2: {  	[smem:$0x3F93] =	sst lr;
	_ =	strace $0xD0000000  }
0x3: {  	_ = 	snop  }
0x4: {  	_ = 	snop  }
0x5: {  	_ = 	snop  }
0x6: {  	_ = 	snop  }
0x7: {  	_ = 	snop  }
__scs_overlays_trampoline_lowered:
0x8: {  	[smem:$0x3FA2] =	sst s0  }
0x9: {  	[smem:$0x3FA3] =	sst s1  }
0xa: {  	[smem:$0x3FA4] =	sst s2  }
0xb: {  	[smem:$0x3FA5] =	sst s3  }
0xc: {  	[smem:$0x3FA6] =	sst s4  }
0xd: {  	[smem:$0x3FA7] =	sst s5  }
0xe: {  	[smem:$0x3FA8] =	sst s6  }
0xf: {  	[smem:$0x3FA9] =	sst s7  }
0x10: {  	[smem:$0x3FAA] =	sst s8  }
0x11: {  	[smem:$0x3FAB] =	sst s9;
	s0 =	simm.s32 @!p0 $0x0  }
0x12: {  	s1 =	sld [smem:$0x3F91];
	s0 =	simm.s32 @p0 $0x1  }
0x13: {  	[smem:$0x3FAC] =	sst s0;
	s0 =	simm.s32 @!p1 $0x0  }
0x14: {  	s2 =	sld [smem:$0x3F90];
	s0 =	simm.s32 @p1 $0x1  }
0x15: {  	[smem:$0x3FAD] =	sst s0;
	s0 =	simm.s32 @!p2 $0x0  }
0x16: {  	s3 =	sld [smem:$0x3FDB];
	s0 =	simm.s32 @p2 $0x1  }
0x17: {  	s4 =	simm.s32 $0x1BF5;
	[smem:$0x3FAF] =	sst s0  }
0x18: {  	s0 =	sld [smem:$0x3F92];
	_ =	swait.ge [sflag:s4], $0x0  }
0x19: {  	s7 =	sld [smem:$0x3F93]  }
0x1a: {  	s8 =	sadd.s32 $0xFFFFE003, lr  }
0x1b: {  	s9 =	sadd.s32 $0xFFFFFEF7, lr;
	s5 =	simm.s32 $0xFFFFFFFF;
	p2 =	slt.u32 s8, $0xFFFFF086  }
0x1c: {  	p1 =	slt.u32 s9, $0xF7A;
	s5 =	simm.s32 @!p2 $0x0  }
0x1d: {  	s5 =	simm.s32 @p1 $0x1;
	p0 =	seq.s32 s7, s2  }
0x1e: {  	s7 =	smul.u32 @!p0 $0xF7A, s2;
	p2 =	seq.s32 @!p0 s5, $0x0  }
0x1f: {  	s9 =	smul.u32 $0xF7A, s1;
	s8 =	simm.s32 @!p0 $0x1BF5;
	p2 =	por !p2, p0  }
0x20: {  	[sflag:s8] =	ssyncset.s32 @!p0 $0xFFFFF086;
	s6 =	sadd.s32 @!p0 s3, s7;
	s7 =	simm.s32 @!p0 $0x108  }
0x21: {  	s3 =	sadd.s32 s3, s9;
	s6 =	sadd.s32 @!p0 $0x88, s6;
	s7 =	simm.s32 @p2 $0x1082  }
0x22: {  	[simem:s7], [sflag:s8] =	dma.local @!p0 [hbm:s6], $0xF7A  }
0x23: {  	s9 =	sor.u32 $0xD0000000, s2;
	s6 =	simm.s32 $0x108;
	_ =	swait.ge @!p0 [sflag:s8], $0x0  }
0x24: {  	s3 =	sadd.s32 $0x88, s3;
	s6 =	simm.s32 @!p1 $0x1082;
	[sflag:s4] =	ssyncset.s32 $0xFFFFF086  }
0x25: {  	[simem:s6], [sflag:s4] =	dma.local [hbm:s3], $0xF7A  }
0x26: {  	[smem:$0x3F93] =	sst s1;
	(tag) =	ssettag s2;
	_ =	strace s9  }
0x27: {  	s1 =	sld [smem:$0x3FA3]  }
0x28: {  	s2 =	sld [smem:$0x3FA4]  }
0x29: {  	s4 =	sld [smem:$0x3FA6]  }
0x2a: {  	p0 =	seq.s32 s5, $0x0;
	s5 =	sld [smem:$0x3FA7]  }
0x2b: {  	s6 =	sld [smem:$0x3FA8]  }
0x2c: {  	s7 =	sld [smem:$0x3FA9]  }
0x2d: {  	s3 =	simm.s32 $0x108;
	s8 =	sld [smem:$0x3FAA]  }
0x2e: {  	s3 =	simm.s32 @!p0 $0x1082;
	s9 =	sld [smem:$0x3FAB]  }
0x2f: {  	lr =	sadd.s32 s0, s3;
	s0 =	sld [smem:$0x3FA2]  }
0x30: {  	s3 =	sld [smem:$0x3FA5]  }
0x31: {  	[smem:$0x3FAE] =	sst s10  }
0x32: {  	s10 =	sld [smem:$0x3FAC];
	_ =	sdelay $0x3  }
0x33: {  	p0 =	seq.s32 s10, $0x1;
	s10 =	sld [smem:$0x3FAE];
	_ =	sdelay $0x3  }
0x34: {  	[smem:$0x3FAE] =	sst s10  }
0x35: {  	s10 =	sld [smem:$0x3FAD];
	_ =	sdelay $0x3  }
0x36: {  	p1 =	seq.s32 s10, $0x1;
	s10 =	sld [smem:$0x3FAE];
	_ =	sdelay $0x3  }
0x37: {  	[smem:$0x3FAE] =	sst s10  }
0x38: {  	s10 =	sld [smem:$0x3FAF]  }
0x39: {  	_ = 	snop;
	(pc) =	sbr.ind lr, $3  }
0x3a: {  	_ = 	snop  }
0x3b: {  	_ = 	snop  }
0x3c: {  	p2 =	seq.s32 s10, $0x1;
	s10 =	sld [smem:$0x3FAE]  }
0x3d: {  	_ =	shalt  }
0x3e: {  	_ =	shalt  }
0x3f: {  	_ =	shalt  }
0x40: {  	_ =	shalt  }
0x41: {  	_ =	shalt  }
0x42: {  	_ =	shalt  }
0x43: {  	_ =	shalt  }
0x44: {  	_ =	shalt  }
0x45: {  	_ =	shalt  }
0x46: {  	_ =	shalt  }
0x47: {  	_ =	shalt  }
0x48: {  	_ =	shalt  }
0x49: {  	_ =	shalt  }
0x4a: {  	_ =	shalt  }
0x4b: {  	_ =	shalt  }
0x4c: {  	_ =	shalt  }
0x4d: {  	_ =	shalt  }
0x4e: {  	_ =	shalt  }
0x4f: {  	_ =	shalt  }
0x50: {  	_ =	shalt  }
0x51: {  	_ =	shalt  }
0x52: {  	_ =	shalt  }
0x53: {  	_ =	shalt  }
0x54: {  	_ =	shalt  }
0x55: {  	_ =	shalt  }
0x56: {  	_ =	shalt  }
0x57: {  	_ =	shalt  }
0x58: {  	_ =	shalt  }
0x59: {  	_ =	shalt  }
0x5a: {  	_ =	shalt  }
0x5b: {  	_ =	shalt  }
0x5c: {  	_ =	shalt  }
0x5d: {  	_ =	shalt  }
0x5e: {  	_ =	shalt  }
0x5f: {  	_ =	shalt  }
0x60: {  	_ =	shalt  }
0x61: {  	_ =	shalt  }
0x62: {  	_ =	shalt  }
0x63: {  	_ =	shalt  }
0x64: {  	_ =	shalt  }
0x65: {  	_ =	shalt  }
0x66: {  	_ =	shalt  }
0x67: {  	_ =	shalt  }
0x68: {  	_ =	shalt  }
0x69: {  	_ =	shalt  }
0x6a: {  	_ =	shalt  }
0x6b: {  	_ =	shalt  }
0x6c: {  	_ =	shalt  }
0x6d: {  	_ =	shalt  }
0x6e: {  	_ =	shalt  }
0x6f: {  	_ =	shalt  }
0x70: {  	_ =	shalt  }
0x71: {  	_ =	shalt  }
0x72: {  	_ =	shalt  }
0x73: {  	_ =	shalt  }
0x74: {  	_ =	shalt  }
0x75: {  	_ =	shalt  }
0x76: {  	_ =	shalt  }
0x77: {  	_ =	shalt  }
0x78: {  	_ =	shalt  }
0x79: {  	_ =	shalt  }
0x7a: {  	_ =	shalt  }
0x7b: {  	_ =	shalt  }
0x7c: {  	_ =	shalt  }
0x7d: {  	_ =	shalt  }
0x7e: {  	_ =	shalt  }
0x7f: {  	_ =	shalt  }
0x80: {  	_ =	shalt  }
0x81: {  	_ =	shalt  }
0x82: {  	_ =	shalt  }
0x83: {  	_ =	shalt  }
0x84: {  	_ =	shalt  }
0x85: {  	_ =	shalt  }
0x86: {  	_ =	shalt  }
0x87: {  	_ =	shalt  }
.Lfunc_end0:
.L_simem_size_0:
called_computation.2_lowered:
.L_overlay_start_0:
0x88: {  	s2 =	sld [smem:$0x3FD9]  }
0x89: {  	s3 =	sld [smem:$0x3FFE];
	_ =	sdelay $0x1  }
0x8a: {  	s1 =	srdreg.scid  }
0x8b: {  	s0 =	sand.u32 $0x1, s1  }
0x8c: {  	s17 =	sshll.u32 s0, $0xA;
	s2 =	sadd.s32 s3, s2  }
0x8d: {  	s2 =	sadd.s32 s2, s17  }
0x8e: {  	[smem:$0x3FBA] =	sst s2  }
0x8f: {  	_ = 	snop  }
0x90: {  	(tm) =	ssettm $0x1  }
0x91: {  	s18 =	sld [smem:$0x3FFB];
	_ =	sdelay $0x3  }
0x92: {  	_ =	strace s18  }
0x93: {  	s2 =	sld [smem:$0x3FFC];
	_ =	sdelay $0x3  }
0x94: {  	_ =	strace s2  }
0x95: {  	s2 =	sld [smem:$0x3FFD];
	_ =	sdelay $0x3  }
0x96: {  	_ =	strace s2  }
0x97: {  	_ =	strace $0x8FFFFFFF  }
0x98: {  	s19 =	sld [smem:$0x3FDB];
	_ =	sdelay $0x1  }
0x99: {  	s20 =	simm.s32 $_scs_section_size  }
0x9a: {  	s4 =	simm.s32 $_size__tile_overlayer_lowered;
	s5 =	simm.s32 $_tile_overlayer_lowered  }
0x9b: {  	s6 =	simm.s32 $0x1BFF;
	s21 =	sshll.u32 s5, $0x1;
	s3 =	sadd.s32 s20, s19  }
0x9c: {  	s22 =	simm.s32 $0x0;
	s4 =	sshll.u32 s4, $0x1;
	s5 =	sadd.s32 s21, s3  }
0x9d: {  	[timem:s22], [sflag:s6] =	dma.local [hbm:s5], s4  }
0x9e: {  	_ =	swait.ge [sflag:s6], s4  }
0x9f: {  	s4 =	ssub.s32 $0x0, s4;
	[sflag:s6] =	ssyncset.done $0x0  }
0xa0: {  	[sflag:s6] =	ssyncadd.s32 s4;
	_ =	sdelay $0x1  }
0xa1: {  	s23 =	simm.s32 $0x1B8B  }
0xa2: {  	_ =	swait.ge [sflag:s23], $0x1  }
0xa3: {  	[sflag:s23] =	ssyncset.done $0x0  }
0xa4: {  	[sflag:s23] =	ssyncadd.s32 $0xFFFFFFFF  }
0xa5: {  	s4 =	sld [smem:$0x0]  }
0xa6: {  	s5 =	sand.u32 $0xFFFFFFFE, s1  }
0xa7: {  	p0 =	sne.s32 s1, s5  }
0xa8: {  	s5 =	sshll.u32 @p0 s5, $0xE  }
0xa9: {  	s5 =	sadd.s32 @p0 $0x11B8D, s5;
	s6 =	sshll.u32 @p0 s4, $0x11  }
0xaa: {  	s5 =	sor.u32 @p0 s6, s5  }
0xab: {  	[sflag:s5] =	ssyncadd.remote.s32 @p0 $0x1;
	_ =	sdelay $0x1  }
0xac: {  	s5 =	simm.s32 @p0 $0x1B8D  }
0xad: {  	_ =	swait.eq @p0 [sflag:s5], $0x1  }
0xae: {  	[sflag:s5] =	ssyncadd.s32 @p0 $0xFFFFFFFF  }
0xaf: {  	s6 =	sshll.u32 @!p0 s1, $0xE  }
0xb0: {  	s6 =	sor.u32 @!p0 $0x4000, s6;
	s5 =	simm.s32 @!p0 $0x1B8D  }
0xb1: {  	s4 =	sshll.u32 @!p0 s4, $0x11;
	s6 =	sadd.s32 @!p0 $0x11B8D, s6;
	_ =	swait.eq @!p0 [sflag:s5], $0x1  }
0xb2: {  	s4 =	sor.u32 @!p0 s4, s6;
	[sflag:s5] =	ssyncadd.s32 @!p0 $0xFFFFFFFF  }
0xb3: {  	s25 =	simm.s32 $0x1B8E;
	s24 =	sld [smem:$0x3FFE];
	[sflag:s4] =	ssyncadd.remote.s32 @!p0 $0x1  }
0xb4: {  	s26 =	simm.s32 $execute0_lowered;
	[smem:$0x3FD2] =	sst s25  }
0xb5: {  	s5 =	sshll.u32 s26, $0x1;
	_ =	strace $0x8000004C;
	[dreg:$0x1] =	wrdreg $0xFFFFFFFF  }
0xb6: {  	s28 =	simm.s32 $_size_execute0_lowered;
	s3 =	sadd.s32 s3, s5;
	[dreg:$0x0] =	wrdreg $0x0  }
0xb7: {  	s5 =	sshll.u32 s28, $0x1;
	[dreg:$0x2] =	wrdreg s3  }
0xb8: {  	[dreg:$0x3] =	wrdreg s5  }
0xb9: {  	[dreg:$0x4] =	wrdreg $0xC0  }
0xba: {  	_ =	task [dreg:s22], $0x5FFFF  }
0xbb: {  	[dreg:$0x1] =	wrdreg $0xFFFFFFFF  }
0xbc: {  	[dreg:$0x0] =	wrdreg $0x60  }
0xbd: {  	[dreg:$0x2] =	wrdreg s24  }
0xbe: {  	[dreg:$0x3] =	wrdreg $0xA  }
0xbf: {  	_ =	task.clear_ibuf [dreg:s22], $0x4FFFF;
	_ =	strace $0x9000004C  }
0xc0: {  	s29 =	simm.s32 $0xA;
	_ =	strace $0x8000004E  }
0xc1: {  	_ =	swait.ge [sflag:s29], $0x1  }
0xc2: {  	[sflag:s29] =	ssyncadd.s32 $0xFFFFFFFF  }
0xc3: {  	_ =	strace $0x9000004E  }
0xc4: {  	_ =	sfence  }
0xc5: {  	s30 =	sld [smem:$0x0];
	_ =	sdelay $0x2  }
0xc6: {  	s31 =	sshll.u32 s1, $0xD;
	s1 =	sshrl.u32 s1, $0x2  }
0xc7: {  	s4 =	sand.u32 $0x4000, s31;
	s1 =	sadd.s32 s1, s30  }
0xc8: {  	s0 =	sor.u32 s4, s0;
	s1 =	sshll.u32 s1, $0x11  }
0xc9: {  	s0 =	sor.u32 s1, s0  }
0xca: {  	s0 =	sadd.s32 $0x8F2B, s0  }
0xcb: {  	[sflag:s0] =	ssyncadd.remote.s32 $0x1  }
0xcc: {  	_ =	sfence.sel $0xFFFF  }
0xcd: {  	[dreg:$0x0] =	wrdreg $0xFFFFFFFF;
	(pc) =	sbr.abs _section_cstart, $3  }
0xce: {  	[dreg:$0x1] =	wrdreg $0xFFFFFFFF  }
0xcf: {  	_ =	task.clear_ibuf [dreg:s22], $0x2FFFF;
	_ =	strace $0x9FFFFFFF  }
0xd0: {  	(tm) =	ssettm $0x7FFFFFFF  }
0xd1: {  	_ =	shalt  }
tec
execute0_lowered:
.L_overlay_start_1:
0x0: {  	(tag) =	ssettag $0x1  }
0x1: {  	s4 =	rddreg [dreg:$0x0];
	s1 =	srdreg.scid  }
0x2: {  	s0 =	rddreg [dreg:$0x1];
	s5 =	sand.u32 $0x1, s1  }
0x3: {  	s2 =	simm.s32 $0x0;
	s1 =	stileid.u32;
	s6 =	smul.u32 $0x66000, s5  }
0x4: {  	s10 =	simm.s32 $0x0;
	[smem:$0x7FF] =	sst s2;
	s7 =	smul.u32 $0x6600, s1  }
0x5: {  	s3 =	sadd.s32 $0x127800, s4;
	s8 =	smul.u32 $0x594000, s5;
	s5 =	ssub.s32 $0x2, s5  }
0x6: {  	_ =	strace $0x8000004D;
	s9 =	smul.u32 $0x59400, s1;
	s30 =	sshrl.u32 s5, $0x1  }
0x7: {  	s6 =	sadd.s32 s7, s6;
	s8 =	sadd.s32 s8, s4;
	s5 =	ssub.s32 s5, s30  }
0x8: {  	s7 =	simm.s32 $0x2;
	s6 =	sshrl.u32 s6, $0x3;
	s31 =	sadd.s32 s9, s8  }
0x9: {  	s8 =	simm.s32 $0x80;
	s9 =	simm.s32 $0x1;
	s6 =	sadd.s32 s6, s4  }
0xa: {  	s4 =	smax.u32 s5, $0x1;
	s5 =	sadd.s32 $0x1EC800, s31;
	s6 =	sadd.s32 $0x1D3000, s6  }
.LBB2_1:
0xb: {  	s11 =	sadd.s32 $0x0, s6  }
0xc: {  	[tilespmem:s2], [sflag:$0x2] =	stream.linear.gather [hbm4b:s11+s2], $0x80, $0x38;
	[tilespmem:$0x3880] =	vst v63  }
0xd: {  	_ =	swait.ge [sflag:s7], $0x80  }
0xe: {  	[sflag:s7] =	ssyncset.done $0x0  }
0xf: {  	[sflag:s7] =	ssyncadd.s32 $0xFFFFFF80  }
0x10: {  	[tilespmem:s8], [sflag:$0x1] =	stream.indirect.gather [hbm4b:s3+s8], $0x70, s2, s8, $0xb8;
	[tilespmem:$0x3880] =	vst v63  }
0x11: {  	_ =	swait.ge [sflag:s9], $0x3800  }
0x12: {  	[sflag:s9] =	ssyncset.done $0x0  }
0x13: {  	[sflag:s9] =	ssyncadd.s32 $0xFFFFC800  }
0x14: {  	[hbm4b:s5+s2] =	stream.linear.scatter [tilespmem:s8], [sflag:$0x2], $0x3800, $0x38;
	[tilespmem:$0x3880] =	vst v63  }
0x15: {  	s12 =	simm.s32 $0x10;
	_ =	swait.ge [sflag:s7], $0x3800  }
0x16: {  	s13 =	simm.s32 $0x20;
	s11 =	sadd.s32 $0x700, s5;
	[sflag:s7] =	ssyncset.done $0x0  }
.LBB2_2:
0x17: {  	s14 =	sadd.s32 s12, s6  }
0x18: {  	[sflag:s7] =	ssyncadd.s32 $0xFFFFC800;
	s12 =	smov.u32 s13;
	s15 =	sadd.s32 $0x10, s13  }
0x19: {  	[tilespmem:s2], [sflag:$0x2] =	stream.linear.gather [hbm4b:s14+s2], $0x80, $0x38;
	[tilespmem:$0x3880] =	vst v63  }
0x1a: {  	p0 =	sne.s32 s13, $0xCB0;
	_ =	swait.ge [sflag:s7], $0x80  }
0x1b: {  	[sflag:s7] =	ssyncset.done $0x0  }
0x1c: {  	[sflag:s7] =	ssyncadd.s32 $0xFFFFFF80  }
0x1d: {  	[tilespmem:s8], [sflag:$0x1] =	stream.indirect.gather [hbm4b:s3+s8], $0x70, s2, s8, $0xb8;
	[tilespmem:$0x3880] =	vst v63  }
0x1e: {  	_ =	swait.ge [sflag:s9], $0x3800  }
.Ltmp0:
0x1f: {  	[sflag:s9] =	ssyncset.done $0x0;
	(pc) =	sbr.rel @p0 .LBB2_2-.Ltmp0, $4  }
0x20: {  	[sflag:s9] =	ssyncadd.s32 $0xFFFFC800  }
0x21: {  	[hbm4b:s11+s2] =	stream.linear.scatter [tilespmem:s8], [sflag:$0x2], $0x3800, $0x38;
	[tilespmem:$0x3880] =	vst v63  }
0x22: {  	_ =	swait.ge [sflag:s7], $0x3800  }
0x23: {  	s13 =	smov.u32 s15;
	s11 =	sadd.s32 $0x700, s11;
	[sflag:s7] =	ssyncset.done $0x0  }
0x24: {  	s12 =	sadd.s32 s12, s6;
	[sflag:s7] =	ssyncadd.s32 $0xFFFFC800  }
0x25: {  	[tilespmem:s2], [sflag:$0x2] =	stream.linear.gather [hbm4b:s12+s2], $0x80, $0x38;
	[tilespmem:$0x3880] =	vst v63  }
0x26: {  	_ =	swait.ge [sflag:s7], $0x80  }
0x27: {  	[sflag:s7] =	ssyncset.done $0x0  }
0x28: {  	[sflag:s7] =	ssyncadd.s32 $0xFFFFFF80  }
0x29: {  	[tilespmem:s8], [sflag:$0x1] =	stream.indirect.gather [hbm4b:s3+s8], $0x70, s2, s8, $0xb8;
	[tilespmem:$0x3880] =	vst v63  }
0x2a: {  	s10 =	sadd.s32 $0x1, s10;
	_ =	swait.ge [sflag:s9], $0x3800  }
0x2b: {  	p0 =	sne.s32 s10, s4;
	[sflag:s9] =	ssyncset.done $0x0  }
.Ltmp1:
0x2c: {  	[sflag:s9] =	ssyncadd.s32 $0xFFFFC800;
	(pc) =	sbr.rel @p0 .LBB2_1-.Ltmp1, $4  }
0x2d: {  	[hbm4b:s11+s2] =	stream.linear.scatter [tilespmem:s8], [sflag:$0x2], $0x3800, $0x38;
	[tilespmem:$0x3880] =	vst v63  }
0x2e: {  	_ =	swait.ge [sflag:s7], $0x3800  }
0x2f: {  	[sflag:s7] =	ssyncset.done $0x0  }
0x30: {  	[sflag:s7] =	ssyncadd.s32 $0xFFFFC800  }
0x31: {  	_ =	sfence.sel $0x180000  }
0x32: {  	[bflag:$0x0] =	sbarrier.arrive $0xFFFF  }
0x33: {  	p0 =	sne.s32 s1, $0x0;
	_ =	strace $0x9000004D  }
0x34: {  	s0 =	sadd.s32 @!p0 $0x100000, s0;
	[bflag:$0x2] =	sbarrier.arrive $0xFFFF  }
0x35: {  	[sflag:s0] =	ssyncadd.tile.s32 @!p0 $0x1;
	_ =	shalt  }
.Lfunc_end2:
_tile_overlayer_lowered:
.L_overlay_start_2:
0x36: {  	(tag) =	ssettag $0x2  }
0x37: {  	s0 =	rddreg [dreg:$0x0];
	s2 =	stileid.u32  }
0x38: {  	s1 =	rddreg [dreg:$0x1];
	p0 =	sne.s32 s2, $0x0  }
0x39: {  	s3 =	rddreg [dreg:$0x2];
	[bflag:$0x3] =	sbarrier.arrive $0xFFFF;
	s2 =	simm.s32 @!p0 $0x1C02  }
0x3a: {  	[timem:s3], [sflag:s2] =	dma.local @!p0 [hbm:s0], s1  }
0x3b: {  	s0 =	simm.s32 @!p0 $0x2  }
0x3c: {  	_ =	swait.ge @!p0 [sflag:s0], s1  }
0x3d: {  	s1 =	ssub.s32 @!p0 $0x0, s1;
	[sflag:s0] =	ssyncset.done @!p0 $0x0  }
0x3e: {  	[sflag:s0] =	ssyncadd.s32 @!p0 s1  }
0x3f: {  	[bflag:$0x3] =	sbarrier.arrive $0xFFFF  }
0x40: {  	_ =	shalt  }

</sc_bundles>
